<compile_context>
chip_gen: v7x
topology: tpu7x:2x2x1
jax: 0.10.2.dev20260603
libtpu: 0.0.44.dev20260713+nightly
codegen_flags: <defaults>
</compile_context>

<pallas_src>
import functools

import jax
import jax.numpy as jnp
from jax import lax
from jax.experimental import pallas as pl
from jax.experimental.pallas import tpu as pltpu
from jax.experimental.pallas import tpu_sc as plsc

_B = 4096
_K = 128
_T = 4096


def _sc_gather_rows(stu_id, exe_id, student_emb, k_difficulty):
    info = plsc.get_sparse_core_info()
    nc, ns = info.num_cores, info.num_subcores
    nw = nc * ns
    bpw = _B // nw
    mesh = plsc.VectorSubcoreMesh(core_axis_name="c", subcore_axis_name="s")

    @functools.partial(
        pl.kernel,
        mesh=mesh,
        out_type=[
            jax.ShapeDtypeStruct((_B, _K), jnp.float32),
            jax.ShapeDtypeStruct((_B, _K), jnp.float32),
        ],
        scratch_types=[
            pltpu.VMEM((bpw,), jnp.int32),
            pltpu.VMEM((bpw,), jnp.int32),
            pltpu.VMEM((bpw, _K), jnp.float32),
            pltpu.VMEM((bpw, _K), jnp.float32),
            pltpu.SemaphoreType.DMA,
        ],
    )
    def k(stu_hbm, exe_hbm, se_hbm, kd_hbm, out_se, out_kd,
          stu_v, exe_v, se_v, kd_v, sem):
        wid = lax.axis_index("s") * nc + lax.axis_index("c")
        base = wid * bpw
        i1 = pltpu.async_copy(stu_hbm.at[pl.ds(base, bpw)], stu_v, sem)
        i2 = pltpu.async_copy(exe_hbm.at[pl.ds(base, bpw)], exe_v, sem)
        i1.wait()
        c1 = pltpu.async_copy(se_hbm.at[stu_v], se_v, sem)
        i2.wait()
        c2 = pltpu.async_copy(kd_hbm.at[exe_v], kd_v, sem)
        c1.wait()
        pltpu.sync_copy(se_v, out_se.at[pl.ds(base, bpw)])
        c2.wait()
        pltpu.sync_copy(kd_v, out_kd.at[pl.ds(base, bpw)])

    return k(stu_id, exe_id, student_emb, k_difficulty)


def _sc_gather_ew(exe_id, e_pad):
    info = plsc.get_sparse_core_info()
    nc, ns = info.num_cores, info.num_subcores
    nw = nc * ns
    bpw = _B // nw
    mesh = plsc.VectorSubcoreMesh(core_axis_name="c", subcore_axis_name="s")

    @functools.partial(
        pl.kernel,
        mesh=mesh,
        out_type=jax.ShapeDtypeStruct((_B, _K), jnp.float32),
        scratch_types=[
            pltpu.VMEM((bpw,), jnp.int32),
            pltpu.VMEM((bpw,), jnp.int32),
            pltpu.VMEM((bpw, _K), jnp.float32),
            pltpu.SemaphoreType.DMA,
        ],
    )
    def k(exe_hbm, ep_hbm, out_ew, exe_v, erow_v, ewin_v, sem):
        wid = lax.axis_index("s") * nc + lax.axis_index("c")
        base = wid * bpw
        pltpu.sync_copy(exe_hbm.at[pl.ds(base, bpw)], exe_v)
        for c in range(bpw // 16):
            erow_v[pl.ds(c * 16, 16)] = lax.shift_right_logical(
                exe_v[pl.ds(c * 16, 16)], 7)
        pltpu.async_copy(ep_hbm.at[erow_v], ewin_v, sem).wait()
        pltpu.sync_copy(ewin_v, out_ew.at[pl.ds(base, bpw)])

    return k(exe_id, e_pad)


def _tc_body(tt_ref, wkc_ref, bkc_ref, ikp_ref, se_ref, kd_ref, ew_ref,
             exe_ref, w1_ref, b1_ref, w2_ref, b2_ref, w3_ref, b3_ref,
             out_ref):
    x = lax.dot_general(tt_ref[...], wkc_ref[...], (((1,), (1,)), ((), ())),
                        preferred_element_type=jnp.float32)
    x = x + bkc_ref[...]
    ikp = ikp_ref[...]
    col = lax.bitwise_and(exe_ref[...], 127).reshape(-1, 1)
    lane = lax.broadcasted_iota(jnp.int32, ew_ref.shape, 1)
    ed = jnp.sum(jnp.where(lane == col, ew_ref[...], 0.0), axis=1,
                 keepdims=True)
    m1 = jnp.max(x, axis=1, keepdims=True)
    x2 = jnp.where(x == m1, -jnp.inf, x)
    m2 = jnp.max(x2, axis=1, keepdims=True)
    merged = jnp.logical_or(x >= m2, ikp != 0.0)
    s = x + ikp
    norm = jnp.maximum(jnp.sqrt(jnp.sum(s * s, axis=1, keepdims=True)), 1e-12)
    ikp2 = jnp.where(merged, s / norm, 0.0)
    stat = jax.nn.sigmoid(se_ref[...])
    esig = jax.nn.sigmoid(ed)
    input_x = esig * (stat - kd_ref[...]) * ikp2
    h = jax.nn.sigmoid(
        lax.dot_general(input_x, jnp.abs(w1_ref[...]), (((1,), (1,)), ((), ())),
                        preferred_element_type=jnp.float32) + b1_ref[...])
    h = jax.nn.sigmoid(
        lax.dot_general(h, jnp.abs(w2_ref[...]), (((1,), (1,)), ((), ())),
                        preferred_element_type=jnp.float32) + b2_ref[...])
    o = jax.nn.sigmoid(
        lax.dot_general(jnp.abs(w3_ref[...]), h, (((1,), (1,)), ((), ())),
                        preferred_element_type=jnp.float32) + b3_ref[0])
    out_ref[...] = o[0]


def _tc_dense(tt, wkc, bkc, ikp, se, kd, ew, exe, w1, b1, w2, b2, w3, b3):
    bb = 512
    grid = _B // bb
    return pl.pallas_call(
        _tc_body,
        grid=(grid,),
        in_specs=[
            pl.BlockSpec((bb, _T), lambda i: (i, 0)),
            pl.BlockSpec((_K, _T), lambda i: (0, 0)),
            pl.BlockSpec((1, _K), lambda i: (0, 0)),
            pl.BlockSpec((bb, _K), lambda i: (i, 0)),
            pl.BlockSpec((bb, _K), lambda i: (i, 0)),
            pl.BlockSpec((bb, _K), lambda i: (i, 0)),
            pl.BlockSpec((bb, _K), lambda i: (i, 0)),
            pl.BlockSpec((bb,), lambda i: (i,)),
            pl.BlockSpec((512, _K), lambda i: (0, 0)),
            pl.BlockSpec((1, 512), lambda i: (0, 0)),
            pl.BlockSpec((256, 512), lambda i: (0, 0)),
            pl.BlockSpec((1, 256), lambda i: (0, 0)),
            pl.BlockSpec((1, 256), lambda i: (0, 0)),
            pl.BlockSpec(memory_space=pltpu.SMEM),
        ],
        out_specs=pl.BlockSpec((bb,), lambda i: (i,)),
        out_shape=jax.ShapeDtypeStruct((_B,), jnp.float32),
    )(tt, wkc, bkc.reshape(1, _K), ikp, se, kd, ew, exe,
      w1, b1.reshape(1, 512), w2, b2.reshape(1, 256), w3, b3)


def kernel(stu_id, input_exercise, input_knowledge_point, teacher_text,
           student_emb, k_difficulty, e_difficulty, Wkc, bkc,
           W1, b1, W2, b2, W3, b3):
    n_e = e_difficulty.shape[0]
    ew_rows = (n_e + _K - 1) // _K
    e_pad = jnp.concatenate(
        [e_difficulty.reshape(-1),
         jnp.zeros((ew_rows * _K - n_e,), jnp.float32)]).reshape(ew_rows, _K)
    se, kd = _sc_gather_rows(stu_id, input_exercise,
                             student_emb, k_difficulty)
    ew = _sc_gather_ew(input_exercise, e_pad)
    return _tc_dense(teacher_text, Wkc, bkc, input_knowledge_point,
                     se, kd, ew, input_exercise, W1, b1, W2, b2, W3, b3)

# --- scband reference (transcript-rebuilt; emitter-appended) ---
"""Pipeline reference for scband-net-18683107738324 (READ-ONLY COPY).

The authoritative reference and input builder live on the scoring server;
editing this copy changes nothing except your own understanding.
"""

import jax, jax.numpy as jnp
import numpy as np


def _pos_linear(x, W, b):
    w = 2.0 * jax.nn.relu(-W) + W
    return x @ w.T + b


def setup_inputs(seed: int = 0) -> dict:
    key = jax.random.key(seed)
    ks = jax.random.split(key, 12)
    B = 4096
    student_n = 1000000
    exer_n = 100000
    K = 128
    T = 4096
    inp = {}
    inp["stu_id"] = jax.random.randint(ks[0], (B,), 0, student_n)
    inp["input_exercise"] = jax.random.randint(ks[1], (B,), 0, exer_n)
    inp["input_knowledge_point"] = jax.random.randint(ks[2], (B, K), 0, 2).astype(jnp.float32)
    inp["teacher_text"] = jax.random.normal(ks[3], (B, T), dtype=jnp.float32)
    inp["student_emb"] = jax.random.normal(ks[4], (student_n, K), dtype=jnp.float32) * 0.02
    inp["k_difficulty"] = jax.random.normal(ks[5], (exer_n, K), dtype=jnp.float32) * 0.02
    inp["e_difficulty"] = jax.random.normal(ks[6], (exer_n, 1), dtype=jnp.float32) * 0.02
    inp["Wkc"] = jax.random.normal(ks[7], (K, T), dtype=jnp.float32) * (1.0 / np.sqrt(T))
    inp["bkc"] = jnp.zeros((K,), dtype=jnp.float32)
    inp["W1"] = jax.random.normal(ks[8], (512, K), dtype=jnp.float32) * (1.0 / np.sqrt(K))
    inp["b1"] = jnp.zeros((512,), dtype=jnp.float32)
    inp["W2"] = jax.random.normal(ks[9], (256, 512), dtype=jnp.float32) * (1.0 / np.sqrt(512))
    inp["b2"] = jnp.zeros((256,), dtype=jnp.float32)
    inp["W3"] = jax.random.normal(ks[10], (1, 256), dtype=jnp.float32) * (1.0 / np.sqrt(256))
    inp["b3"] = jnp.zeros((1,), dtype=jnp.float32)
    return inp


def reference(stu_id, input_exercise, input_knowledge_point, teacher_text, student_emb, k_difficulty, e_difficulty, Wkc, bkc, W1, b1, W2, b2, W3, b3):
    # Net.forward (dropout = identity in eval mode)
    stat_emb = jax.nn.sigmoid(jnp.take(student_emb, stu_id, axis=0))
    k_diff = jnp.take(k_difficulty, input_exercise, axis=0)
    e_diff = jax.nn.sigmoid(jnp.take(e_difficulty, input_exercise, axis=0))
    # CustomModel.forward (self.kc)
    x = teacher_text @ Wkc.T + bkc
    x_softmax = jax.nn.softmax(x, axis=-1)
    _, topk_idx = jax.lax.top_k(x_softmax, 2)
    mask = jnp.zeros_like(x_softmax)
    rows = jnp.arange(x.shape[0])[:, None]
    mask = mask.at[rows, topk_idx].set(1.0)
    merged = jnp.logical_or(mask.astype(bool), input_knowledge_point.astype(bool)).astype(jnp.float32)
    s = x + input_knowledge_point
    norm = jnp.maximum(jnp.linalg.norm(s, axis=1, keepdims=True), 1e-12)
    ikp2 = (s / norm) * merged
    input_x = e_diff * (stat_emb - k_diff) * ikp2
    h = jax.nn.sigmoid(_pos_linear(input_x, W1, b1))
    h = jax.nn.sigmoid(_pos_linear(h, W2, b2))
    out = jax.nn.sigmoid(_pos_linear(h, W3, b3))
    return out.reshape(-1)

if __name__ == "__main__":
    import jax
    _d = setup_inputs()
    print(jax.jit(kernel)(*tuple(_d.values())))

</pallas_src>

<mosaic_0001>
#map = affine_map<(d0, d1) -> (0)>
#map1 = affine_map<(d0, d1) -> (0, 0)>
module attributes {stable_mosaic.version = 14 : i64} {
  func.func @k(%arg0: i32, %arg1: i32, %arg2: memref<4096xi32, #tpu.memory_space<hbm>>, %arg3: memref<782x128xf32, #tpu.memory_space<hbm>>, %arg4: memref<4096x128xf32, #tpu.memory_space<hbm>>, %arg5: memref<128xi32, #tpu.memory_space<vmem>>, %arg6: memref<128xi32, #tpu.memory_space<vmem>>, %arg7: memref<128x128xf32, #tpu.memory_space<vmem>>, %arg8: memref<!tpu.dma_semaphore, #tpu.memory_space<semaphore_mem>>) attributes {dimension_semantics = [#tpu.dimension_semantics<core_parallel>, #tpu.dimension_semantics<subcore_parallel>], iteration_bounds = array<i64: 2, 16>, scalar_prefetch = 0 : i64, scratch_operands = 4 : i64, tpu.core_type = #tpu.core_type<sc_vector_subcore>, window_params = [{transform_indices = #map}, {transform_indices = #map1}, {transform_indices = #map1}]} {
    %mul3A = arith.constant 2 : i32
    %mul3A_0 = arith.muli %arg1, %mul3A : i32
    %add3A = arith.addi %mul3A_0, %arg0 : i32
    %mul3A_1 = arith.constant 128 : i32
    %mul3A_2 = arith.muli %add3A, %mul3A_1 : i32
    "tpu.region"() ({
      %run_scoped3A = tpu.sem_alloc : memref<!tpu.dma_semaphore, #tpu.memory_space<semaphore_mem>>
      %dma_start3A_84 = tpu.memref_slice %arg2[%mul3A_2] : memref<4096xi32, #tpu.memory_space<hbm>> -> memref<128xi32, #tpu.memory_space<hbm>>
      %dma_start3A_85 = tpu.memref_slice %arg2[%mul3A_2] : memref<4096xi32, #tpu.memory_space<hbm>> -> memref<128xi32, #tpu.memory_space<hbm>>
      tpu.enqueue_dma source(%dma_start3A_85 : memref<128xi32, #tpu.memory_space<hbm>>) target(%arg5 : memref<128xi32, #tpu.memory_space<vmem>>) target_semaphore(%run_scoped3A : memref<!tpu.dma_semaphore, #tpu.memory_space<semaphore_mem>>)
      %dma_wait3A_86 = tpu.memref_slice %arg2[%mul3A_2] : memref<4096xi32, #tpu.memory_space<hbm>> -> memref<128xi32, #tpu.memory_space<hbm>>
      %dma_wait3A_87 = tpu.memref_slice %arg2[%mul3A_2] : memref<4096xi32, #tpu.memory_space<hbm>> -> memref<128xi32, #tpu.memory_space<hbm>>
      tpu.wait_dma2 semaphore(%run_scoped3A : memref<!tpu.dma_semaphore, #tpu.memory_space<semaphore_mem>>) src(%dma_wait3A_87 : memref<128xi32, #tpu.memory_space<hbm>>) dst(%arg5 : memref<128xi32, #tpu.memory_space<vmem>>)
      tpu.yield
    }) : () -> ()
    %get3A = arith.constant 0 : index
    %get3A_3 = tpu.vector_load %arg5[%get3A] {strides = array<i32>} : memref<128xi32, #tpu.memory_space<vmem>>, vector<16xi32>,
    %get3A_4 = vector.shape_cast %get3A_3 : vector<16xi32> to vector<16xi32>
    %shift_right_logical3A = arith.constant 7 : i32
    %shift_right_logical3A_5 = vector.broadcast %shift_right_logical3A : i32 to vector<16xi32>
    %shift_right_logical3A_6 = arith.shrui %get3A_4, %shift_right_logical3A_5 : vector<16xi32>
    %swap3A = arith.constant 0 : index
    %swap3A_7 = tpu.vector_load %arg6[%swap3A] {strides = array<i32>} : memref<128xi32, #tpu.memory_space<vmem>>, vector<16xi32>,
    %swap3A_8 = vector.shape_cast %swap3A_7 : vector<16xi32> to vector<16xi32>
    %swap3A_9 = vector.shape_cast %shift_right_logical3A_6 : vector<16xi32> to vector<16xi32>
    tpu.vector_store %arg6[%swap3A], %swap3A_9 {strides = array<i32>} : memref<128xi32, #tpu.memory_space<vmem>>, vector<16xi32>,
    %get3A_10 = arith.constant 16 : index
    %get3A_11 = tpu.vector_load %arg5[%get3A_10] {strides = array<i32>} : memref<128xi32, #tpu.memory_space<vmem>>, vector<16xi32>,
    %get3A_12 = vector.shape_cast %get3A_11 : vector<16xi32> to vector<16xi32>
    %shift_right_logical3A_13 = arith.constant 7 : i32
    %shift_right_logical3A_14 = vector.broadcast %shift_right_logical3A_13 : i32 to vector<16xi32>
    %shift_right_logical3A_15 = arith.shrui %get3A_12, %shift_right_logical3A_14 : vector<16xi32>
    %swap3A_16 = arith.constant 16 : index
    %swap3A_17 = tpu.vector_load %arg6[%swap3A_16] {strides = array<i32>} : memref<128xi32, #tpu.memory_space<vmem>>, vector<16xi32>,
    %swap3A_18 = vector.shape_cast %swap3A_17 : vector<16xi32> to vector<16xi32>
    %swap3A_19 = vector.shape_cast %shift_right_logical3A_15 : vector<16xi32> to vector<16xi32>
    tpu.vector_store %arg6[%swap3A_16], %swap3A_19 {strides = array<i32>} : memref<128xi32, #tpu.memory_space<vmem>>, vector<16xi32>,
    %get3A_20 = arith.constant 32 : index
    %get3A_21 = tpu.vector_load %arg5[%get3A_20] {strides = array<i32>} : memref<128xi32, #tpu.memory_space<vmem>>, vector<16xi32>,
    %get3A_22 = vector.shape_cast %get3A_21 : vector<16xi32> to vector<16xi32>
    %shift_right_logical3A_23 = arith.constant 7 : i32
    %shift_right_logical3A_24 = vector.broadcast %shift_right_logical3A_23 : i32 to vector<16xi32>
    %shift_right_logical3A_25 = arith.shrui %get3A_22, %shift_right_logical3A_24 : vector<16xi32>
    %swap3A_26 = arith.constant 32 : index
    %swap3A_27 = tpu.vector_load %arg6[%swap3A_26] {strides = array<i32>} : memref<128xi32, #tpu.memory_space<vmem>>, vector<16xi32>,
    %swap3A_28 = vector.shape_cast %swap3A_27 : vector<16xi32> to vector<16xi32>
    %swap3A_29 = vector.shape_cast %shift_right_logical3A_25 : vector<16xi32> to vector<16xi32>
    tpu.vector_store %arg6[%swap3A_26], %swap3A_29 {strides = array<i32>} : memref<128xi32, #tpu.memory_space<vmem>>, vector<16xi32>,
    %get3A_30 = arith.constant 48 : index
    %get3A_31 = tpu.vector_load %arg5[%get3A_30] {strides = array<i32>} : memref<128xi32, #tpu.memory_space<vmem>>, vector<16xi32>,
    %get3A_32 = vector.shape_cast %get3A_31 : vector<16xi32> to vector<16xi32>
    %shift_right_logical3A_33 = arith.constant 7 : i32
    %shift_right_logical3A_34 = vector.broadcast %shift_right_logical3A_33 : i32 to vector<16xi32>
    %shift_right_logical3A_35 = arith.shrui %get3A_32, %shift_right_logical3A_34 : vector<16xi32>
    %swap3A_36 = arith.constant 48 : index
    %swap3A_37 = tpu.vector_load %arg6[%swap3A_36] {strides = array<i32>} : memref<128xi32, #tpu.memory_space<vmem>>, vector<16xi32>,
    %swap3A_38 = vector.shape_cast %swap3A_37 : vector<16xi32> to vector<16xi32>
    %swap3A_39 = vector.shape_cast %shift_right_logical3A_35 : vector<16xi32> to vector<16xi32>
    tpu.vector_store %arg6[%swap3A_36], %swap3A_39 {strides = array<i32>} : memref<128xi32, #tpu.memory_space<vmem>>, vector<16xi32>,
    %get3A_40 = arith.constant 64 : index
    %get3A_41 = tpu.vector_load %arg5[%get3A_40] {strides = array<i32>} : memref<128xi32, #tpu.memory_space<vmem>>, vector<16xi32>,
    %get3A_42 = vector.shape_cast %get3A_41 : vector<16xi32> to vector<16xi32>
    %shift_right_logical3A_43 = arith.constant 7 : i32
    %shift_right_logical3A_44 = vector.broadcast %shift_right_logical3A_43 : i32 to vector<16xi32>
    %shift_right_logical3A_45 = arith.shrui %get3A_42, %shift_right_logical3A_44 : vector<16xi32>
    %swap3A_46 = arith.constant 64 : index
    %swap3A_47 = tpu.vector_load %arg6[%swap3A_46] {strides = array<i32>} : memref<128xi32, #tpu.memory_space<vmem>>, vector<16xi32>,
    %swap3A_48 = vector.shape_cast %swap3A_47 : vector<16xi32> to vector<16xi32>
    %swap3A_49 = vector.shape_cast %shift_right_logical3A_45 : vector<16xi32> to vector<16xi32>
    tpu.vector_store %arg6[%swap3A_46], %swap3A_49 {strides = array<i32>} : memref<128xi32, #tpu.memory_space<vmem>>, vector<16xi32>,
    %get3A_50 = arith.constant 80 : index
    %get3A_51 = tpu.vector_load %arg5[%get3A_50] {strides = array<i32>} : memref<128xi32, #tpu.memory_space<vmem>>, vector<16xi32>,
    %get3A_52 = vector.shape_cast %get3A_51 : vector<16xi32> to vector<16xi32>
    %shift_right_logical3A_53 = arith.constant 7 : i32
    %shift_right_logical3A_54 = vector.broadcast %shift_right_logical3A_53 : i32 to vector<16xi32>
    %shift_right_logical3A_55 = arith.shrui %get3A_52, %shift_right_logical3A_54 : vector<16xi32>
    %swap3A_56 = arith.constant 80 : index
    %swap3A_57 = tpu.vector_load %arg6[%swap3A_56] {strides = array<i32>} : memref<128xi32, #tpu.memory_space<vmem>>, vector<16xi32>,
    %swap3A_58 = vector.shape_cast %swap3A_57 : vector<16xi32> to vector<16xi32>
    %swap3A_59 = vector.shape_cast %shift_right_logical3A_55 : vector<16xi32> to vector<16xi32>
    tpu.vector_store %arg6[%swap3A_56], %swap3A_59 {strides = array<i32>} : memref<128xi32, #tpu.memory_space<vmem>>, vector<16xi32>,
    %get3A_60 = arith.constant 96 : index
    %get3A_61 = tpu.vector_load %arg5[%get3A_60] {strides = array<i32>} : memref<128xi32, #tpu.memory_space<vmem>>, vector<16xi32>,
    %get3A_62 = vector.shape_cast %get3A_61 : vector<16xi32> to vector<16xi32>
    %shift_right_logical3A_63 = arith.constant 7 : i32
    %shift_right_logical3A_64 = vector.broadcast %shift_right_logical3A_63 : i32 to vector<16xi32>
    %shift_right_logical3A_65 = arith.shrui %get3A_62, %shift_right_logical3A_64 : vector<16xi32>
    %swap3A_66 = arith.constant 96 : index
    %swap3A_67 = tpu.vector_load %arg6[%swap3A_66] {strides = array<i32>} : memref<128xi32, #tpu.memory_space<vmem>>, vector<16xi32>,
    %swap3A_68 = vector.shape_cast %swap3A_67 : vector<16xi32> to vector<16xi32>
    %swap3A_69 = vector.shape_cast %shift_right_logical3A_65 : vector<16xi32> to vector<16xi32>
    tpu.vector_store %arg6[%swap3A_66], %swap3A_69 {strides = array<i32>} : memref<128xi32, #tpu.memory_space<vmem>>, vector<16xi32>,
    %get3A_70 = arith.constant 112 : index
    %get3A_71 = tpu.vector_load %arg5[%get3A_70] {strides = array<i32>} : memref<128xi32, #tpu.memory_space<vmem>>, vector<16xi32>,
    %get3A_72 = vector.shape_cast %get3A_71 : vector<16xi32> to vector<16xi32>
    %shift_right_logical3A_73 = arith.constant 7 : i32
    %shift_right_logical3A_74 = vector.broadcast %shift_right_logical3A_73 : i32 to vector<16xi32>
    %shift_right_logical3A_75 = arith.shrui %get3A_72, %shift_right_logical3A_74 : vector<16xi32>
    %swap3A_76 = arith.constant 112 : index
    %swap3A_77 = tpu.vector_load %arg6[%swap3A_76] {strides = array<i32>} : memref<128xi32, #tpu.memory_space<vmem>>, vector<16xi32>,
    %swap3A_78 = vector.shape_cast %swap3A_77 : vector<16xi32> to vector<16xi32>
    %swap3A_79 = vector.shape_cast %shift_right_logical3A_75 : vector<16xi32> to vector<16xi32>
    tpu.vector_store %arg6[%swap3A_76], %swap3A_79 {strides = array<i32>} : memref<128xi32, #tpu.memory_space<vmem>>, vector<16xi32>,
    %dma_start3A = arith.constant 0 : i32
    %dma_start3A_80 = arith.constant 0 : i32
    %dma_start3A_81 = tpu.memref_slice %arg3[%dma_start3A, %dma_start3A_80] : memref<782x128xf32, #tpu.memory_space<hbm>> -> memref<782x128xf32, #tpu.memory_space<hbm>>
    tpu.enqueue_indirect_dma source(%dma_start3A_81 : memref<782x128xf32, #tpu.memory_space<hbm>>) target(%arg7 : memref<128x128xf32, #tpu.memory_space<vmem>>) offsets(%arg6 : memref<128xi32, #tpu.memory_space<vmem>>) semaphore(%arg8 : memref<!tpu.dma_semaphore, #tpu.memory_space<semaphore_mem>>)
    %dma_wait3A = arith.constant 0 : i32
    %dma_wait3A_82 = arith.constant 0 : i32
    %dma_wait3A_83 = tpu.memref_slice %arg3[%dma_wait3A, %dma_wait3A_82] : memref<782x128xf32, #tpu.memory_space<hbm>> -> memref<782x128xf32, #tpu.memory_space<hbm>>
    tpu.wait_indirect_dma semaphore(%arg8 : memref<!tpu.dma_semaphore, #tpu.memory_space<semaphore_mem>>) src(%dma_wait3A_83 : memref<782x128xf32, #tpu.memory_space<hbm>>) dst(%arg7 : memref<128x128xf32, #tpu.memory_space<vmem>>)
    "tpu.region"() ({
      %run_scoped3A = tpu.sem_alloc : memref<!tpu.dma_semaphore, #tpu.memory_space<semaphore_mem>>
      %dma_start3A_84 = arith.constant 0 : i32
      %dma_start3A_85 = tpu.memref_slice %arg4[%mul3A_2, %dma_start3A_84] : memref<4096x128xf32, #tpu.memory_space<hbm>> -> memref<128x128xf32, #tpu.memory_space<hbm>>
      %dma_start3A_86 = arith.constant 0 : i32
      %dma_start3A_87 = tpu.memref_slice %arg4[%mul3A_2, %dma_start3A_86] : memref<4096x128xf32, #tpu.memory_space<hbm>> -> memref<128x128xf32, #tpu.memory_space<hbm>>
      tpu.enqueue_dma source(%arg7 : memref<128x128xf32, #tpu.memory_space<vmem>>) target(%dma_start3A_87 : memref<128x128xf32, #tpu.memory_space<hbm>>) target_semaphore(%run_scoped3A : memref<!tpu.dma_semaphore, #tpu.memory_space<semaphore_mem>>)
      %dma_wait3A_88 = arith.constant 0 : i32
      %dma_wait3A_89 = tpu.memref_slice %arg4[%mul3A_2, %dma_wait3A_88] : memref<4096x128xf32, #tpu.memory_space<hbm>> -> memref<128x128xf32, #tpu.memory_space<hbm>>
      %dma_wait3A_90 = arith.constant 0 : i32
      %dma_wait3A_91 = tpu.memref_slice %arg4[%mul3A_2, %dma_wait3A_90] : memref<4096x128xf32, #tpu.memory_space<hbm>> -> memref<128x128xf32, #tpu.memory_space<hbm>>
      tpu.wait_dma2 semaphore(%run_scoped3A : memref<!tpu.dma_semaphore, #tpu.memory_space<semaphore_mem>>) src(%arg7 : memref<128x128xf32, #tpu.memory_space<vmem>>) dst(%dma_wait3A_91 : memref<128x128xf32, #tpu.memory_space<hbm>>)
      tpu.yield
    }) : () -> ()
    return
  }
}

#map = affine_map<(d0, d1) -> (0)>
#map1 = affine_map<(d0, d1) -> (0, 0)>
module attributes {stable_mosaic.version = 14 : i64} {
  func.func @k(%arg0: i32, %arg1: i32, %arg2: memref<4096xi32, #tpu.memory_space<hbm>>, %arg3: memref<4096xi32, #tpu.memory_space<hbm>>, %arg4: memref<1000000x128xf32, #tpu.memory_space<hbm>>, %arg5: memref<100000x128xf32, #tpu.memory_space<hbm>>, %arg6: memref<4096x128xf32, #tpu.memory_space<hbm>>, %arg7: memref<4096x128xf32, #tpu.memory_space<hbm>>, %arg8: memref<128xi32, #tpu.memory_space<vmem>>, %arg9: memref<128xi32, #tpu.memory_space<vmem>>, %arg10: memref<128x128xf32, #tpu.memory_space<vmem>>, %arg11: memref<128x128xf32, #tpu.memory_space<vmem>>, %arg12: memref<!tpu.dma_semaphore, #tpu.memory_space<semaphore_mem>>) attributes {dimension_semantics = [#tpu.dimension_semantics<core_parallel>, #tpu.dimension_semantics<subcore_parallel>], iteration_bounds = array<i64: 2, 16>, scalar_prefetch = 0 : i64, scratch_operands = 5 : i64, tpu.core_type = #tpu.core_type<sc_vector_subcore>, window_params = [{transform_indices = #map}, {transform_indices = #map}, {transform_indices = #map1}, {transform_indices = #map1}, {transform_indices = #map1}, {transform_indices = #map1}]} {
    %mul3A = arith.constant 2 : i32
    %mul3A_0 = arith.muli %arg1, %mul3A : i32
    %add3A = arith.addi %mul3A_0, %arg0 : i32
    %mul3A_1 = arith.constant 128 : i32
    %mul3A_2 = arith.muli %add3A, %mul3A_1 : i32
    %dma_start3A = tpu.memref_slice %arg2[%mul3A_2] : memref<4096xi32, #tpu.memory_space<hbm>> -> memref<128xi32, #tpu.memory_space<hbm>>
    %dma_start3A_3 = tpu.memref_slice %arg2[%mul3A_2] : memref<4096xi32, #tpu.memory_space<hbm>> -> memref<128xi32, #tpu.memory_space<hbm>>
    tpu.enqueue_dma source(%dma_start3A_3 : memref<128xi32, #tpu.memory_space<hbm>>) target(%arg8 : memref<128xi32, #tpu.memory_space<vmem>>) target_semaphore(%arg12 : memref<!tpu.dma_semaphore, #tpu.memory_space<semaphore_mem>>)
    %dma_start3A_4 = tpu.memref_slice %arg3[%mul3A_2] : memref<4096xi32, #tpu.memory_space<hbm>> -> memref<128xi32, #tpu.memory_space<hbm>>
    %dma_start3A_5 = tpu.memref_slice %arg3[%mul3A_2] : memref<4096xi32, #tpu.memory_space<hbm>> -> memref<128xi32, #tpu.memory_space<hbm>>
    tpu.enqueue_dma source(%dma_start3A_5 : memref<128xi32, #tpu.memory_space<hbm>>) target(%arg9 : memref<128xi32, #tpu.memory_space<vmem>>) target_semaphore(%arg12 : memref<!tpu.dma_semaphore, #tpu.memory_space<semaphore_mem>>)
    %dma_wait3A = tpu.memref_slice %arg2[%mul3A_2] : memref<4096xi32, #tpu.memory_space<hbm>> -> memref<128xi32, #tpu.memory_space<hbm>>
    %dma_wait3A_6 = tpu.memref_slice %arg2[%mul3A_2] : memref<4096xi32, #tpu.memory_space<hbm>> -> memref<128xi32, #tpu.memory_space<hbm>>
    tpu.wait_dma2 semaphore(%arg12 : memref<!tpu.dma_semaphore, #tpu.memory_space<semaphore_mem>>) src(%dma_wait3A_6 : memref<128xi32, #tpu.memory_space<hbm>>) dst(%arg8 : memref<128xi32, #tpu.memory_space<vmem>>)
    %dma_start3A_7 = arith.constant 0 : i32
    %dma_start3A_8 = arith.constant 0 : i32
    %dma_start3A_9 = tpu.memref_slice %arg4[%dma_start3A_7, %dma_start3A_8] : memref<1000000x128xf32, #tpu.memory_space<hbm>> -> memref<1000000x128xf32, #tpu.memory_space<hbm>>
    tpu.enqueue_indirect_dma source(%dma_start3A_9 : memref<1000000x128xf32, #tpu.memory_space<hbm>>) target(%arg10 : memref<128x128xf32, #tpu.memory_space<vmem>>) offsets(%arg8 : memref<128xi32, #tpu.memory_space<vmem>>) semaphore(%arg12 : memref<!tpu.dma_semaphore, #tpu.memory_space<semaphore_mem>>)
    %dma_wait3A_10 = tpu.memref_slice %arg3[%mul3A_2] : memref<4096xi32, #tpu.memory_space<hbm>> -> memref<128xi32, #tpu.memory_space<hbm>>
    %dma_wait3A_11 = tpu.memref_slice %arg3[%mul3A_2] : memref<4096xi32, #tpu.memory_space<hbm>> -> memref<128xi32, #tpu.memory_space<hbm>>
    tpu.wait_dma2 semaphore(%arg12 : memref<!tpu.dma_semaphore, #tpu.memory_space<semaphore_mem>>) src(%dma_wait3A_11 : memref<128xi32, #tpu.memory_space<hbm>>) dst(%arg9 : memref<128xi32, #tpu.memory_space<vmem>>)
    %dma_start3A_12 = arith.constant 0 : i32
    %dma_start3A_13 = arith.constant 0 : i32
    %dma_start3A_14 = tpu.memref_slice %arg5[%dma_start3A_12, %dma_start3A_13] : memref<100000x128xf32, #tpu.memory_space<hbm>> -> memref<100000x128xf32, #tpu.memory_space<hbm>>
    tpu.enqueue_indirect_dma source(%dma_start3A_14 : memref<100000x128xf32, #tpu.memory_space<hbm>>) target(%arg11 : memref<128x128xf32, #tpu.memory_space<vmem>>) offsets(%arg9 : memref<128xi32, #tpu.memory_space<vmem>>) semaphore(%arg12 : memref<!tpu.dma_semaphore, #tpu.memory_space<semaphore_mem>>)
    %dma_wait3A_15 = arith.constant 0 : i32
    %dma_wait3A_16 = arith.constant 0 : i32
    %dma_wait3A_17 = tpu.memref_slice %arg4[%dma_wait3A_15, %dma_wait3A_16] : memref<1000000x128xf32, #tpu.memory_space<hbm>> -> memref<1000000x128xf32, #tpu.memory_space<hbm>>
    tpu.wait_indirect_dma semaphore(%arg12 : memref<!tpu.dma_semaphore, #tpu.memory_space<semaphore_mem>>) src(%dma_wait3A_17 : memref<1000000x128xf32, #tpu.memory_space<hbm>>) dst(%arg10 : memref<128x128xf32, #tpu.memory_space<vmem>>)
    "tpu.region"() ({
      %run_scoped3A = tpu.sem_alloc : memref<!tpu.dma_semaphore, #tpu.memory_space<semaphore_mem>>
      %dma_start3A_21 = arith.constant 0 : i32
      %dma_start3A_22 = tpu.memref_slice %arg6[%mul3A_2, %dma_start3A_21] : memref<4096x128xf32, #tpu.memory_space<hbm>> -> memref<128x128xf32, #tpu.memory_space<hbm>>
      %dma_start3A_23 = arith.constant 0 : i32
      %dma_start3A_24 = tpu.memref_slice %arg6[%mul3A_2, %dma_start3A_23] : memref<4096x128xf32, #tpu.memory_space<hbm>> -> memref<128x128xf32, #tpu.memory_space<hbm>>
      tpu.enqueue_dma source(%arg10 : memref<128x128xf32, #tpu.memory_space<vmem>>) target(%dma_start3A_24 : memref<128x128xf32, #tpu.memory_space<hbm>>) target_semaphore(%run_scoped3A : memref<!tpu.dma_semaphore, #tpu.memory_space<semaphore_mem>>)
      %dma_wait3A_25 = arith.constant 0 : i32
      %dma_wait3A_26 = tpu.memref_slice %arg6[%mul3A_2, %dma_wait3A_25] : memref<4096x128xf32, #tpu.memory_space<hbm>> -> memref<128x128xf32, #tpu.memory_space<hbm>>
      %dma_wait3A_27 = arith.constant 0 : i32
      %dma_wait3A_28 = tpu.memref_slice %arg6[%mul3A_2, %dma_wait3A_27] : memref<4096x128xf32, #tpu.memory_space<hbm>> -> memref<128x128xf32, #tpu.memory_space<hbm>>
      tpu.wait_dma2 semaphore(%run_scoped3A : memref<!tpu.dma_semaphore, #tpu.memory_space<semaphore_mem>>) src(%arg10 : memref<128x128xf32, #tpu.memory_space<vmem>>) dst(%dma_wait3A_28 : memref<128x128xf32, #tpu.memory_space<hbm>>)
      tpu.yield
    }) : () -> ()
    %dma_wait3A_18 = arith.constant 0 : i32
    %dma_wait3A_19 = arith.constant 0 : i32
    %dma_wait3A_20 = tpu.memref_slice %arg5[%dma_wait3A_18, %dma_wait3A_19] : memref<100000x128xf32, #tpu.memory_space<hbm>> -> memref<100000x128xf32, #tpu.memory_space<hbm>>
    tpu.wait_indirect_dma semaphore(%arg12 : memref<!tpu.dma_semaphore, #tpu.memory_space<semaphore_mem>>) src(%dma_wait3A_20 : memref<100000x128xf32, #tpu.memory_space<hbm>>) dst(%arg11 : memref<128x128xf32, #tpu.memory_space<vmem>>)
    "tpu.region"() ({
      %run_scoped3A = tpu.sem_alloc : memref<!tpu.dma_semaphore, #tpu.memory_space<semaphore_mem>>
      %dma_start3A_21 = arith.constant 0 : i32
      %dma_start3A_22 = tpu.memref_slice %arg7[%mul3A_2, %dma_start3A_21] : memref<4096x128xf32, #tpu.memory_space<hbm>> -> memref<128x128xf32, #tpu.memory_space<hbm>>
      %dma_start3A_23 = arith.constant 0 : i32
      %dma_start3A_24 = tpu.memref_slice %arg7[%mul3A_2, %dma_start3A_23] : memref<4096x128xf32, #tpu.memory_space<hbm>> -> memref<128x128xf32, #tpu.memory_space<hbm>>
      tpu.enqueue_dma source(%arg11 : memref<128x128xf32, #tpu.memory_space<vmem>>) target(%dma_start3A_24 : memref<128x128xf32, #tpu.memory_space<hbm>>) target_semaphore(%run_scoped3A : memref<!tpu.dma_semaphore, #tpu.memory_space<semaphore_mem>>)
      %dma_wait3A_25 = arith.constant 0 : i32
      %dma_wait3A_26 = tpu.memref_slice %arg7[%mul3A_2, %dma_wait3A_25] : memref<4096x128xf32, #tpu.memory_space<hbm>> -> memref<128x128xf32, #tpu.memory_space<hbm>>
      %dma_wait3A_27 = arith.constant 0 : i32
      %dma_wait3A_28 = tpu.memref_slice %arg7[%mul3A_2, %dma_wait3A_27] : memref<4096x128xf32, #tpu.memory_space<hbm>> -> memref<128x128xf32, #tpu.memory_space<hbm>>
      tpu.wait_dma2 semaphore(%run_scoped3A : memref<!tpu.dma_semaphore, #tpu.memory_space<semaphore_mem>>) src(%arg11 : memref<128x128xf32, #tpu.memory_space<vmem>>) dst(%dma_wait3A_28 : memref<128x128xf32, #tpu.memory_space<hbm>>)
      tpu.yield
    }) : () -> ()
    return
  }
}

module attributes {stable_mosaic.version = 14 : i64} {
  func.func @_tc_body(%arg0: i32, %arg1: memref<512x4096xf32, #tpu.memory_space<vmem>>, %arg2: memref<128x4096xf32, #tpu.memory_space<vmem>>, %arg3: memref<1x128xf32, #tpu.memory_space<vmem>>, %arg4: memref<512x128xf32, #tpu.memory_space<vmem>>, %arg5: memref<512x128xf32, #tpu.memory_space<vmem>>, %arg6: memref<512x128xf32, #tpu.memory_space<vmem>>, %arg7: memref<512x128xf32, #tpu.memory_space<vmem>>, %arg8: memref<512xi32, #tpu.memory_space<vmem>>, %arg9: memref<512x128xf32, #tpu.memory_space<vmem>>, %arg10: memref<1x512xf32, #tpu.memory_space<vmem>>, %arg11: memref<256x512xf32, #tpu.memory_space<vmem>>, %arg12: memref<1x256xf32, #tpu.memory_space<vmem>>, %arg13: memref<1x256xf32, #tpu.memory_space<vmem>>, %arg14: memref<1xf32, #tpu.memory_space<smem>>, %arg15: memref<512xf32, #tpu.memory_space<vmem>>) attributes {dimension_semantics = [#tpu.dimension_semantics<arbitrary>], iteration_bounds = array<i64: 8>, scalar_prefetch = 0 : i64, scratch_operands = 0 : i64, tpu.core_type = #tpu.core_type<tc>, window_params = [{transform_indices = @transform_0, window_bounds = array<i64: 512, 4096>}, {pipeline_mode = #tpu.pipeline_mode<synchronous>, transform_indices = @transform_1, window_bounds = array<i64: 128, 4096>}, {pipeline_mode = #tpu.pipeline_mode<synchronous>, transform_indices = @transform_2, window_bounds = array<i64: 1, 128>}, {transform_indices = @transform_3, window_bounds = array<i64: 512, 128>}, {transform_indices = @transform_4, window_bounds = array<i64: 512, 128>}, {transform_indices = @transform_5, window_bounds = array<i64: 512, 128>}, {transform_indices = @transform_6, window_bounds = array<i64: 512, 128>}, {transform_indices = @transform_7, window_bounds = array<i64: 512>}, {pipeline_mode = #tpu.pipeline_mode<synchronous>, transform_indices = @transform_8, window_bounds = array<i64: 512, 128>}, {pipeline_mode = #tpu.pipeline_mode<synchronous>, transform_indices = @transform_9, window_bounds = array<i64: 1, 512>}, {pipeline_mode = #tpu.pipeline_mode<synchronous>, transform_indices = @transform_10, window_bounds = array<i64: 256, 512>}, {pipeline_mode = #tpu.pipeline_mode<synchronous>, transform_indices = @transform_11, window_bounds = array<i64: 1, 256>}, {pipeline_mode = #tpu.pipeline_mode<synchronous>, transform_indices = @transform_12, window_bounds = array<i64: 1, 256>}, {transform_indices = @transform_13, window_bounds = array<i64: 1>}, {transform_indices = @transform_14, window_bounds = array<i64: 512>}]} {
    %get3A = arith.constant 0 : index
    %get3A_0 = arith.constant 0 : index
    %get3A_1 = vector.load %arg1[%get3A, %get3A_0] : memref<512x4096xf32, #tpu.memory_space<vmem>>, vector<512x4096xf32>
    %get3A_2 = arith.constant 0 : index
    %get3A_3 = arith.constant 0 : index
    %get3A_4 = vector.load %arg2[%get3A_2, %get3A_3] : memref<128x4096xf32, #tpu.memory_space<vmem>>, vector<128x4096xf32>
    %dot_general3A = arith.constant dense<0.000000e+00> : vector<512x128xf32>
    %dot_general3A_5 = tpu.matmul %get3A_1, %get3A_4, %dot_general3A {dimension_numbers = #tpu.dot_dimension_numbers<[1], [1], [0], [0], [0, 0, 1, 0], [], []>, transpose_lhs_hint = false} : vector<512x4096xf32>, vector<128x4096xf32>, vector<512x128xf32> -> vector<512x128xf32>
    %get3A_6 = arith.constant 0 : index
    %get3A_7 = arith.constant 0 : index
    %get3A_8 = vector.load %arg3[%get3A_6, %get3A_7] : memref<1x128xf32, #tpu.memory_space<vmem>>, vector<1x128xf32>
    %add3A = vector.broadcast %get3A_8 : vector<1x128xf32> to vector<512x128xf32>
    %add3A_9 = arith.addf %dot_general3A_5, %add3A : vector<512x128xf32>
    %get3A_10 = arith.constant 0 : index
    %get3A_11 = arith.constant 0 : index
    %get3A_12 = vector.load %arg4[%get3A_10, %get3A_11] : memref<512x128xf32, #tpu.memory_space<vmem>>, vector<512x128xf32>
    %get3A_13 = arith.constant 0 : index
    %get3A_14 = vector.load %arg8[%get3A_13] : memref<512xi32, #tpu.memory_space<vmem>>, vector<512xi32>
    %and3A = arith.constant 127 : i32
    %and3A_15 = vector.broadcast %and3A : i32 to vector<512xi32>
    %and3A_16 = arith.andi %get3A_14, %and3A_15 : vector<512xi32>
    %reshape3A = vector.shape_cast %and3A_16 : vector<512xi32> to vector<512x1xi32>
    %iota3A = tpu.iota {dimensions = array<i32: 1>} : vector<512x128xi32>
    %eq3A = vector.broadcast %reshape3A : vector<512x1xi32> to vector<512x128xi32>
    %eq3A_17 = arith.cmpi eq, %iota3A, %eq3A : vector<512x128xi32>
    %get3A_18 = arith.constant 0 : index
    %get3A_19 = arith.constant 0 : index
    %get3A_20 = vector.load %arg7[%get3A_18, %get3A_19] : memref<512x128xf32, #tpu.memory_space<vmem>>, vector<512x128xf32>
    %jit3A = arith.constant 0.000000e+00 : f32
    %broadcast_in_dim3A = vector.broadcast %jit3A : f32 to vector<512x128xf32>
    %select_n3A = arith.select %eq3A_17, %get3A_20, %broadcast_in_dim3A : vector<512x128xi1>, vector<512x128xf32>
    %reduce_sum3A = arith.constant dense<0.000000e+00> : vector<512xf32>
    %reduce_sum3A_21 = vector.multi_reduction <add>, %select_n3A, %reduce_sum3A [1] : vector<512x128xf32> to vector<512xf32>
    %broadcast_in_dim3A_22 = vector.shape_cast %reduce_sum3A_21 : vector<512xf32> to vector<512x1xf32>
    %reduce_max3A = arith.constant dense<0xFF800000> : vector<512xf32>
    %reduce_max3A_23 = vector.multi_reduction <maximumf>, %add3A_9, %reduce_max3A [1] : vector<512x128xf32> to vector<512xf32>
    %broadcast_in_dim3A_24 = vector.shape_cast %reduce_max3A_23 : vector<512xf32> to vector<512x1xf32>
    %eq3A_25 = vector.broadcast %broadcast_in_dim3A_24 : vector<512x1xf32> to vector<512x128xf32>
    %eq3A_26 = arith.cmpf oeq, %add3A_9, %eq3A_25 : vector<512x128xf32>
    %jit3A_27 = arith.constant 0xFF800000 : f32
    %broadcast_in_dim3A_28 = vector.broadcast %jit3A_27 : f32 to vector<512x128xf32>
    %select_n3A_29 = arith.select %eq3A_26, %broadcast_in_dim3A_28, %add3A_9 : vector<512x128xi1>, vector<512x128xf32>
    %reduce_max3A_30 = arith.constant dense<0xFF800000> : vector<512xf32>
    %reduce_max3A_31 = vector.multi_reduction <maximumf>, %select_n3A_29, %reduce_max3A_30 [1] : vector<512x128xf32> to vector<512xf32>
    %broadcast_in_dim3A_32 = vector.shape_cast %reduce_max3A_31 : vector<512xf32> to vector<512x1xf32>
    %ge3A = vector.broadcast %broadcast_in_dim3A_32 : vector<512x1xf32> to vector<512x128xf32>
    %ge3A_33 = arith.cmpf oge, %add3A_9, %ge3A : vector<512x128xf32>
    %ne3A = arith.constant 0.000000e+00 : f32
    %ne3A_34 = vector.broadcast %ne3A : f32 to vector<512x128xf32>
    %ne3A_35 = arith.cmpf one, %get3A_12, %ne3A_34 : vector<512x128xf32>
    %or3A = arith.ori %ge3A_33, %ne3A_35 : vector<512x128xi1>
    %add3A_36 = arith.addf %add3A_9, %get3A_12 : vector<512x128xf32>
    %mul3A = arith.mulf %add3A_36, %add3A_36 : vector<512x128xf32>
    %reduce_sum3A_37 = arith.constant dense<0.000000e+00> : vector<512xf32>
    %reduce_sum3A_38 = vector.multi_reduction <add>, %mul3A, %reduce_sum3A_37 [1] : vector<512x128xf32> to vector<512xf32>
    %broadcast_in_dim3A_39 = vector.shape_cast %reduce_sum3A_38 : vector<512xf32> to vector<512x1xf32>
    %sqrt3A = math.sqrt %broadcast_in_dim3A_39 : vector<512x1xf32>
    %max3A = arith.constant 9.99999996E-13 : f32
    %max3A_40 = vector.broadcast %max3A : f32 to vector<512x1xf32>
    %max3A_41 = arith.maximumf %sqrt3A, %max3A_40 : vector<512x1xf32>
    %div3A = vector.broadcast %max3A_41 : vector<512x1xf32> to vector<512x128xf32>
    %div3A_42 = arith.divf %add3A_36, %div3A : vector<512x128xf32>
    %jit3A_43 = arith.constant 0.000000e+00 : f32
    %broadcast_in_dim3A_44 = vector.broadcast %jit3A_43 : f32 to vector<512x128xf32>
    %select_n3A_45 = arith.select %or3A, %div3A_42, %broadcast_in_dim3A_44 : vector<512x128xi1>, vector<512x128xf32>
    %get3A_46 = arith.constant 0 : index
    %get3A_47 = arith.constant 0 : index
    %get3A_48 = vector.load %arg5[%get3A_46, %get3A_47] : memref<512x128xf32, #tpu.memory_space<vmem>>, vector<512x128xf32>
    %logistic3A = arith.negf %get3A_48 : vector<512x128xf32>
    %logistic3A_49 = math.exp %logistic3A : vector<512x128xf32>
    %logistic3A_50 = arith.constant 1.000000e+00 : f32
    %logistic3A_51 = vector.broadcast %logistic3A_50 : f32 to vector<512x128xf32>
    %logistic3A_52 = arith.addf %logistic3A_51, %logistic3A_49 : vector<512x128xf32>
    %logistic3A_53 = arith.divf %logistic3A_51, %logistic3A_52 : vector<512x128xf32>
    %logistic3A_54 = arith.negf %broadcast_in_dim3A_22 : vector<512x1xf32>
    %logistic3A_55 = math.exp %logistic3A_54 : vector<512x1xf32>
    %logistic3A_56 = arith.constant 1.000000e+00 : f32
    %logistic3A_57 = vector.broadcast %logistic3A_56 : f32 to vector<512x1xf32>
    %logistic3A_58 = arith.addf %logistic3A_57, %logistic3A_55 : vector<512x1xf32>
    %logistic3A_59 = arith.divf %logistic3A_57, %logistic3A_58 : vector<512x1xf32>
    %get3A_60 = arith.constant 0 : index
    %get3A_61 = arith.constant 0 : index
    %get3A_62 = vector.load %arg6[%get3A_60, %get3A_61] : memref<512x128xf32, #tpu.memory_space<vmem>>, vector<512x128xf32>
    %sub3A = arith.subf %logistic3A_53, %get3A_62 : vector<512x128xf32>
    %mul3A_63 = vector.broadcast %logistic3A_59 : vector<512x1xf32> to vector<512x128xf32>
    %mul3A_64 = arith.mulf %mul3A_63, %sub3A : vector<512x128xf32>
    %mul3A_65 = arith.mulf %mul3A_64, %select_n3A_45 : vector<512x128xf32>
    %get3A_66 = arith.constant 0 : index
    %get3A_67 = arith.constant 0 : index
    %get3A_68 = vector.load %arg9[%get3A_66, %get3A_67] : memref<512x128xf32, #tpu.memory_space<vmem>>, vector<512x128xf32>
    %abs3A = math.absf %get3A_68 : vector<512x128xf32>
    %dot_general3A_69 = arith.constant dense<0.000000e+00> : vector<512x512xf32>
    %dot_general3A_70 = tpu.matmul %mul3A_65, %abs3A, %dot_general3A_69 {dimension_numbers = #tpu.dot_dimension_numbers<[1], [1], [0], [0], [0, 0, 1, 0], [], []>, transpose_lhs_hint = false} : vector<512x128xf32>, vector<512x128xf32>, vector<512x512xf32> -> vector<512x512xf32>
    %get3A_71 = arith.constant 0 : index
    %get3A_72 = arith.constant 0 : index
    %get3A_73 = vector.load %arg10[%get3A_71, %get3A_72] : memref<1x512xf32, #tpu.memory_space<vmem>>, vector<1x512xf32>
    %add3A_74 = vector.broadcast %get3A_73 : vector<1x512xf32> to vector<512x512xf32>
    %add3A_75 = arith.addf %dot_general3A_70, %add3A_74 : vector<512x512xf32>
    %logistic3A_76 = arith.negf %add3A_75 : vector<512x512xf32>
    %logistic3A_77 = math.exp %logistic3A_76 : vector<512x512xf32>
    %logistic3A_78 = arith.constant 1.000000e+00 : f32
    %logistic3A_79 = vector.broadcast %logistic3A_78 : f32 to vector<512x512xf32>
    %logistic3A_80 = arith.addf %logistic3A_79, %logistic3A_77 : vector<512x512xf32>
    %logistic3A_81 = arith.divf %logistic3A_79, %logistic3A_80 : vector<512x512xf32>
    %get3A_82 = arith.constant 0 : index
    %get3A_83 = arith.constant 0 : index
    %get3A_84 = vector.load %arg11[%get3A_82, %get3A_83] : memref<256x512xf32, #tpu.memory_space<vmem>>, vector<256x512xf32>
    %abs3A_85 = math.absf %get3A_84 : vector<256x512xf32>
    %dot_general3A_86 = arith.constant dense<0.000000e+00> : vector<512x256xf32>
    %dot_general3A_87 = tpu.matmul %logistic3A_81, %abs3A_85, %dot_general3A_86 {dimension_numbers = #tpu.dot_dimension_numbers<[1], [1], [0], [0], [0, 0, 1, 0], [], []>, transpose_lhs_hint = false} : vector<512x512xf32>, vector<256x512xf32>, vector<512x256xf32> -> vector<512x256xf32>
    %get3A_88 = arith.constant 0 : index
    %get3A_89 = arith.constant 0 : index
    %get3A_90 = vector.load %arg12[%get3A_88, %get3A_89] : memref<1x256xf32, #tpu.memory_space<vmem>>, vector<1x256xf32>
    %add3A_91 = vector.broadcast %get3A_90 : vector<1x256xf32> to vector<512x256xf32>
    %add3A_92 = arith.addf %dot_general3A_87, %add3A_91 : vector<512x256xf32>
    %logistic3A_93 = arith.negf %add3A_92 : vector<512x256xf32>
    %logistic3A_94 = math.exp %logistic3A_93 : vector<512x256xf32>
    %logistic3A_95 = arith.constant 1.000000e+00 : f32
    %logistic3A_96 = vector.broadcast %logistic3A_95 : f32 to vector<512x256xf32>
    %logistic3A_97 = arith.addf %logistic3A_96, %logistic3A_94 : vector<512x256xf32>
    %logistic3A_98 = arith.divf %logistic3A_96, %logistic3A_97 : vector<512x256xf32>
    %get3A_99 = arith.constant 0 : index
    %get3A_100 = arith.constant 0 : index
    %get3A_101 = vector.load %arg13[%get3A_99, %get3A_100] : memref<1x256xf32, #tpu.memory_space<vmem>>, vector<1x256xf32>
    %abs3A_102 = math.absf %get3A_101 : vector<1x256xf32>
    %dot_general3A_103 = arith.constant dense<0.000000e+00> : vector<1x512xf32>
    %dot_general3A_104 = tpu.matmul %abs3A_102, %logistic3A_98, %dot_general3A_103 {dimension_numbers = #tpu.dot_dimension_numbers<[1], [1], [0], [0], [0, 0, 1, 0], [], []>, transpose_lhs_hint = false} : vector<1x256xf32>, vector<512x256xf32>, vector<1x512xf32> -> vector<1x512xf32>
    %get3A_105 = arith.constant 0 : index
    %get3A_106 = memref.load %arg14[%get3A_105] : memref<1xf32, #tpu.memory_space<smem>>
    %add3A_107 = vector.broadcast %get3A_106 : f32 to vector<1x512xf32>
    %add3A_108 = arith.addf %dot_general3A_104, %add3A_107 : vector<1x512xf32>
    %logistic3A_109 = arith.negf %add3A_108 : vector<1x512xf32>
    %logistic3A_110 = math.exp %logistic3A_109 : vector<1x512xf32>
    %logistic3A_111 = arith.constant 1.000000e+00 : f32
    %logistic3A_112 = vector.broadcast %logistic3A_111 : f32 to vector<1x512xf32>
    %logistic3A_113 = arith.addf %logistic3A_112, %logistic3A_110 : vector<1x512xf32>
    %logistic3A_114 = arith.divf %logistic3A_112, %logistic3A_113 : vector<1x512xf32>
    %squeeze3A = vector.shape_cast %logistic3A_114 : vector<1x512xf32> to vector<512xf32>
    %swap3A = arith.constant 0 : index
    %swap3A_115 = vector.load %arg15[%swap3A] : memref<512xf32, #tpu.memory_space<vmem>>, vector<512xf32>
    tpu.vector_store %arg15[%swap3A], %squeeze3A {strides = array<i32>} : memref<512xf32, #tpu.memory_space<vmem>>, vector<512xf32>,
    return
  }
  func.func @transform_0(%arg0: i32) -> (i32, i32) {
    %c0_i32 = arith.constant 0 : i32
    %c0_i32_0 = arith.constant 0 : i32
    return %arg0, %c0_i32 : i32, i32
  }
  func.func @transform_1(%arg0: i32) -> (i32, i32) {
    %c0_i32 = arith.constant 0 : i32
    %c0_i32_0 = arith.constant 0 : i32
    %c0_i32_1 = arith.constant 0 : i32
    return %c0_i32, %c0_i32_0 : i32, i32
  }
  func.func @transform_2(%arg0: i32) -> (i32, i32) {
    %c0_i32 = arith.constant 0 : i32
    %c0_i32_0 = arith.constant 0 : i32
    %c0_i32_1 = arith.constant 0 : i32
    return %c0_i32, %c0_i32_0 : i32, i32
  }
  func.func @transform_3(%arg0: i32) -> (i32, i32) {
    %c0_i32 = arith.constant 0 : i32
    %c0_i32_0 = arith.constant 0 : i32
    return %arg0, %c0_i32 : i32, i32
  }
  func.func @transform_4(%arg0: i32) -> (i32, i32) {
    %c0_i32 = arith.constant 0 : i32
    %c0_i32_0 = arith.constant 0 : i32
    return %arg0, %c0_i32 : i32, i32
  }
  func.func @transform_5(%arg0: i32) -> (i32, i32) {
    %c0_i32 = arith.constant 0 : i32
    %c0_i32_0 = arith.constant 0 : i32
    return %arg0, %c0_i32 : i32, i32
  }
  func.func @transform_6(%arg0: i32) -> (i32, i32) {
    %c0_i32 = arith.constant 0 : i32
    %c0_i32_0 = arith.constant 0 : i32
    return %arg0, %c0_i32 : i32, i32
  }
  func.func @transform_7(%arg0: i32) -> i32 {
    %c0_i32 = arith.constant 0 : i32
    return %arg0 : i32
  }
  func.func @transform_8(%arg0: i32) -> (i32, i32) {
    %c0_i32 = arith.constant 0 : i32
    %c0_i32_0 = arith.constant 0 : i32
    %c0_i32_1 = arith.constant 0 : i32
    return %c0_i32, %c0_i32_0 : i32, i32
  }
  func.func @transform_9(%arg0: i32) -> (i32, i32) {
    %c0_i32 = arith.constant 0 : i32
    %c0_i32_0 = arith.constant 0 : i32
    %c0_i32_1 = arith.constant 0 : i32
    return %c0_i32, %c0_i32_0 : i32, i32
  }
  func.func @transform_10(%arg0: i32) -> (i32, i32) {
    %c0_i32 = arith.constant 0 : i32
    %c0_i32_0 = arith.constant 0 : i32
    %c0_i32_1 = arith.constant 0 : i32
    return %c0_i32, %c0_i32_0 : i32, i32
  }
  func.func @transform_11(%arg0: i32) -> (i32, i32) {
    %c0_i32 = arith.constant 0 : i32
    %c0_i32_0 = arith.constant 0 : i32
    %c0_i32_1 = arith.constant 0 : i32
    return %c0_i32, %c0_i32_0 : i32, i32
  }
  func.func @transform_12(%arg0: i32) -> (i32, i32) {
    %c0_i32 = arith.constant 0 : i32
    %c0_i32_0 = arith.constant 0 : i32
    %c0_i32_1 = arith.constant 0 : i32
    return %c0_i32, %c0_i32_0 : i32, i32
  }
  func.func @transform_13(%arg0: i32) -> i32 {
    %c0_i32 = arith.constant 0 : i32
    %c0_i32_0 = arith.constant 0 : i32
    return %c0_i32 : i32
  }
  func.func @transform_14(%arg0: i32) -> i32 {
    %c0_i32 = arith.constant 0 : i32
    return %arg0 : i32
  }
}

</mosaic_0001>

<sc_bundles>
// kernel: kernel.5.cloned.1.call-start
scs
__scs_entry_jumppad:
0x0: {  	(pc) =	sbr.rel $0x88, $3  }
0x1: {  	(tag) =	ssettag $0x0;
	lr =	simm.s32 $0x1  }
0x2: {  	[smem:$0x3F92] =	sst lr;
	_ =	strace $0xD0000000  }
0x3: {  	_ = 	snop  }
0x4: {  	_ = 	snop  }
0x5: {  	_ = 	snop  }
0x6: {  	_ = 	snop  }
0x7: {  	_ = 	snop  }
__scs_overlays_trampoline_lowered:
0x8: {  	[smem:$0x3FA1] =	sst s0  }
0x9: {  	[smem:$0x3FA2] =	sst s1  }
0xa: {  	[smem:$0x3FA3] =	sst s2  }
0xb: {  	[smem:$0x3FA4] =	sst s3  }
0xc: {  	[smem:$0x3FA5] =	sst s4  }
0xd: {  	[smem:$0x3FA6] =	sst s5  }
0xe: {  	[smem:$0x3FA7] =	sst s6  }
0xf: {  	[smem:$0x3FA8] =	sst s7  }
0x10: {  	[smem:$0x3FA9] =	sst s8  }
0x11: {  	[smem:$0x3FAA] =	sst s9;
	s0 =	simm.s32 @!p0 $0x0  }
0x12: {  	s1 =	sld [smem:$0x3F90];
	s0 =	simm.s32 @p0 $0x1  }
0x13: {  	[smem:$0x3FAB] =	sst s0;
	s0 =	simm.s32 @!p1 $0x0  }
0x14: {  	s2 =	sld [smem:$0x3F8F];
	s0 =	simm.s32 @p1 $0x1  }
0x15: {  	[smem:$0x3FAC] =	sst s0;
	s0 =	simm.s32 @!p2 $0x0  }
0x16: {  	s3 =	sld [smem:$0x3FDB];
	s0 =	simm.s32 @p2 $0x1  }
0x17: {  	s4 =	simm.s32 $0x1BF5;
	[smem:$0x3FAE] =	sst s0  }
0x18: {  	s0 =	sld [smem:$0x3F91];
	_ =	swait.ge [sflag:s4], $0x0  }
0x19: {  	s7 =	sld [smem:$0x3F92]  }
0x1a: {  	s8 =	sadd.s32 $0xFFFFE003, lr  }
0x1b: {  	s9 =	sadd.s32 $0xFFFFFEF7, lr;
	s5 =	simm.s32 $0xFFFFFFFF;
	p2 =	slt.u32 s8, $0xFFFFF086  }
0x1c: {  	p1 =	slt.u32 s9, $0xF7A;
	s5 =	simm.s32 @!p2 $0x0  }
0x1d: {  	s5 =	simm.s32 @p1 $0x1;
	p0 =	seq.s32 s7, s2  }
0x1e: {  	s7 =	smul.u32 @!p0 $0xF7A, s2;
	p2 =	seq.s32 @!p0 s5, $0x0  }
0x1f: {  	s9 =	smul.u32 $0xF7A, s1;
	s8 =	simm.s32 @!p0 $0x1BF5;
	p2 =	por !p2, p0  }
0x20: {  	[sflag:s8] =	ssyncset.s32 @!p0 $0xFFFFF086;
	s6 =	sadd.s32 @!p0 s3, s7;
	s7 =	simm.s32 @!p0 $0x108  }
0x21: {  	s3 =	sadd.s32 s3, s9;
	s6 =	sadd.s32 @!p0 $0x88, s6;
	s7 =	simm.s32 @p2 $0x1082  }
0x22: {  	[simem:s7], [sflag:s8] =	dma.local @!p0 [hbm:s6], $0xF7A  }
0x23: {  	s9 =	sor.u32 $0xD0000000, s2;
	s6 =	simm.s32 $0x108;
	_ =	swait.ge @!p0 [sflag:s8], $0x0  }
0x24: {  	s3 =	sadd.s32 $0x88, s3;
	s6 =	simm.s32 @!p1 $0x1082;
	[sflag:s4] =	ssyncset.s32 $0xFFFFF086  }
0x25: {  	[simem:s6], [sflag:s4] =	dma.local [hbm:s3], $0xF7A  }
0x26: {  	[smem:$0x3F92] =	sst s1;
	(tag) =	ssettag s2;
	_ =	strace s9  }
0x27: {  	s1 =	sld [smem:$0x3FA2]  }
0x28: {  	s2 =	sld [smem:$0x3FA3]  }
0x29: {  	s4 =	sld [smem:$0x3FA5]  }
0x2a: {  	p0 =	seq.s32 s5, $0x0;
	s5 =	sld [smem:$0x3FA6]  }
0x2b: {  	s6 =	sld [smem:$0x3FA7]  }
0x2c: {  	s7 =	sld [smem:$0x3FA8]  }
0x2d: {  	s3 =	simm.s32 $0x108;
	s8 =	sld [smem:$0x3FA9]  }
0x2e: {  	s3 =	simm.s32 @!p0 $0x1082;
	s9 =	sld [smem:$0x3FAA]  }
0x2f: {  	lr =	sadd.s32 s0, s3;
	s0 =	sld [smem:$0x3FA1]  }
0x30: {  	s3 =	sld [smem:$0x3FA4]  }
0x31: {  	[smem:$0x3FAD] =	sst s10  }
0x32: {  	s10 =	sld [smem:$0x3FAB];
	_ =	sdelay $0x3  }
0x33: {  	p0 =	seq.s32 s10, $0x1;
	s10 =	sld [smem:$0x3FAD];
	_ =	sdelay $0x3  }
0x34: {  	[smem:$0x3FAD] =	sst s10  }
0x35: {  	s10 =	sld [smem:$0x3FAC];
	_ =	sdelay $0x3  }
0x36: {  	p1 =	seq.s32 s10, $0x1;
	s10 =	sld [smem:$0x3FAD];
	_ =	sdelay $0x3  }
0x37: {  	[smem:$0x3FAD] =	sst s10  }
0x38: {  	s10 =	sld [smem:$0x3FAE]  }
0x39: {  	_ = 	snop;
	(pc) =	sbr.ind lr, $3  }
0x3a: {  	_ = 	snop  }
0x3b: {  	_ = 	snop  }
0x3c: {  	p2 =	seq.s32 s10, $0x1;
	s10 =	sld [smem:$0x3FAD]  }
0x3d: {  	_ =	shalt  }
0x3e: {  	_ =	shalt  }
0x3f: {  	_ =	shalt  }
0x40: {  	_ =	shalt  }
0x41: {  	_ =	shalt  }
0x42: {  	_ =	shalt  }
0x43: {  	_ =	shalt  }
0x44: {  	_ =	shalt  }
0x45: {  	_ =	shalt  }
0x46: {  	_ =	shalt  }
0x47: {  	_ =	shalt  }
0x48: {  	_ =	shalt  }
0x49: {  	_ =	shalt  }
0x4a: {  	_ =	shalt  }
0x4b: {  	_ =	shalt  }
0x4c: {  	_ =	shalt  }
0x4d: {  	_ =	shalt  }
0x4e: {  	_ =	shalt  }
0x4f: {  	_ =	shalt  }
0x50: {  	_ =	shalt  }
0x51: {  	_ =	shalt  }
0x52: {  	_ =	shalt  }
0x53: {  	_ =	shalt  }
0x54: {  	_ =	shalt  }
0x55: {  	_ =	shalt  }
0x56: {  	_ =	shalt  }
0x57: {  	_ =	shalt  }
0x58: {  	_ =	shalt  }
0x59: {  	_ =	shalt  }
0x5a: {  	_ =	shalt  }
0x5b: {  	_ =	shalt  }
0x5c: {  	_ =	shalt  }
0x5d: {  	_ =	shalt  }
0x5e: {  	_ =	shalt  }
0x5f: {  	_ =	shalt  }
0x60: {  	_ =	shalt  }
0x61: {  	_ =	shalt  }
0x62: {  	_ =	shalt  }
0x63: {  	_ =	shalt  }
0x64: {  	_ =	shalt  }
0x65: {  	_ =	shalt  }
0x66: {  	_ =	shalt  }
0x67: {  	_ =	shalt  }
0x68: {  	_ =	shalt  }
0x69: {  	_ =	shalt  }
0x6a: {  	_ =	shalt  }
0x6b: {  	_ =	shalt  }
0x6c: {  	_ =	shalt  }
0x6d: {  	_ =	shalt  }
0x6e: {  	_ =	shalt  }
0x6f: {  	_ =	shalt  }
0x70: {  	_ =	shalt  }
0x71: {  	_ =	shalt  }
0x72: {  	_ =	shalt  }
0x73: {  	_ =	shalt  }
0x74: {  	_ =	shalt  }
0x75: {  	_ =	shalt  }
0x76: {  	_ =	shalt  }
0x77: {  	_ =	shalt  }
0x78: {  	_ =	shalt  }
0x79: {  	_ =	shalt  }
0x7a: {  	_ =	shalt  }
0x7b: {  	_ =	shalt  }
0x7c: {  	_ =	shalt  }
0x7d: {  	_ =	shalt  }
0x7e: {  	_ =	shalt  }
0x7f: {  	_ =	shalt  }
0x80: {  	_ =	shalt  }
0x81: {  	_ =	shalt  }
0x82: {  	_ =	shalt  }
0x83: {  	_ =	shalt  }
0x84: {  	_ =	shalt  }
0x85: {  	_ =	shalt  }
0x86: {  	_ =	shalt  }
0x87: {  	_ =	shalt  }
.Lfunc_end0:
.L_simem_size_0:
called_computation_lowered:
.L_overlay_start_0:
0x88: {  	s2 =	sld [smem:$0x3FD9]  }
0x89: {  	s3 =	sld [smem:$0x3FFE];
	_ =	sdelay $0x1  }
0x8a: {  	s1 =	srdreg.scid  }
0x8b: {  	s0 =	sand.u32 $0x1, s1  }
0x8c: {  	s17 =	sshll.u32 s0, $0xA;
	s2 =	sadd.s32 s3, s2  }
0x8d: {  	s2 =	sadd.s32 s2, s17  }
0x8e: {  	[smem:$0x3FB9] =	sst s2  }
0x8f: {  	_ = 	snop  }
0x90: {  	s18 =	sld [smem:$0x3FC9]  }
0x91: {  	s4 =	sld [smem:$0x3FC8]  }
0x92: {  	s5 =	sld [smem:$0x3FC5]  }
0x93: {  	s6 =	sld [smem:$0x3FC4];
	(tm) =	ssettm $0x1  }
0x94: {  	s19 =	sld [smem:$0x3FFB];
	_ =	sdelay $0x3  }
0x95: {  	_ =	strace s19  }
0x96: {  	s2 =	sld [smem:$0x3FFC];
	_ =	sdelay $0x3  }
0x97: {  	_ =	strace s2  }
0x98: {  	s2 =	sld [smem:$0x3FFD];
	_ =	sdelay $0x3  }
0x99: {  	_ =	strace s2  }
0x9a: {  	_ =	strace $0x8FFFFFFF  }
0x9b: {  	s20 =	sld [smem:$0x3FDB];
	_ =	sdelay $0x1  }
0x9c: {  	s7 =	simm.s32 $_scs_section_size  }
0x9d: {  	s8 =	simm.s32 $_size__tile_overlayer_lowered;
	s9 =	simm.s32 $_tile_overlayer_lowered  }
0x9e: {  	s10 =	simm.s32 $0x1BFF;
	s21 =	sshll.u32 s9, $0x1;
	s7 =	sadd.s32 s7, s20  }
0x9f: {  	s22 =	simm.s32 $0x0;
	s8 =	sshll.u32 s8, $0x1;
	s9 =	sadd.s32 s21, s7  }
0xa0: {  	[timem:s22], [sflag:s10] =	dma.local [hbm:s9], s8  }
0xa1: {  	_ =	swait.ge [sflag:s10], s8  }
0xa2: {  	s8 =	ssub.s32 $0x0, s8;
	[sflag:s10] =	ssyncset.done $0x0  }
0xa3: {  	[sflag:s10] =	ssyncadd.s32 s8;
	_ =	sdelay $0x1  }
0xa4: {  	s23 =	simm.s32 $0x1B8B  }
0xa5: {  	_ =	swait.ge [sflag:s23], $0x1  }
0xa6: {  	[sflag:s23] =	ssyncset.done $0x0  }
0xa7: {  	[sflag:s23] =	ssyncadd.s32 $0xFFFFFFFF  }
0xa8: {  	s8 =	sld [smem:$0x0]  }
0xa9: {  	s9 =	sand.u32 $0xFFFFFFFE, s1  }
0xaa: {  	p0 =	sne.s32 s1, s9  }
0xab: {  	s9 =	sshll.u32 @p0 s9, $0xE  }
0xac: {  	s9 =	sadd.s32 @p0 $0x11B8D, s9;
	s10 =	sshll.u32 @p0 s8, $0x11  }
0xad: {  	s9 =	sor.u32 @p0 s10, s9  }
0xae: {  	[sflag:s9] =	ssyncadd.remote.s32 @p0 $0x1;
	_ =	sdelay $0x1  }
0xaf: {  	s9 =	simm.s32 @p0 $0x1B8D  }
0xb0: {  	_ =	swait.eq @p0 [sflag:s9], $0x1  }
0xb1: {  	[sflag:s9] =	ssyncadd.s32 @p0 $0xFFFFFFFF  }
0xb2: {  	s10 =	sshll.u32 @!p0 s1, $0xE  }
0xb3: {  	s10 =	sor.u32 @!p0 $0x4000, s10;
	s9 =	simm.s32 @!p0 $0x1B8D  }
0xb4: {  	s8 =	sshll.u32 @!p0 s8, $0x11;
	s10 =	sadd.s32 @!p0 $0x11B8D, s10;
	_ =	swait.eq @!p0 [sflag:s9], $0x1  }
0xb5: {  	s8 =	sor.u32 @!p0 s8, s10;
	[sflag:s9] =	ssyncadd.s32 @!p0 $0xFFFFFFFF  }
0xb6: {  	s25 =	simm.s32 $0x1B8E;
	s24 =	sld [smem:$0x3FFE];
	[sflag:s8] =	ssyncadd.remote.s32 @!p0 $0x1  }
0xb7: {  	s26 =	simm.s32 $execute0_lowered;
	[smem:$0x3FD2] =	sst s25  }
0xb8: {  	s9 =	sshll.u32 s26, $0x1;
	_ =	strace $0x80000049;
	[dreg:$0x1] =	wrdreg $0xFFFFFFFF  }
0xb9: {  	s28 =	simm.s32 $_size_execute0_lowered;
	s7 =	sadd.s32 s7, s9;
	[dreg:$0x0] =	wrdreg $0x0  }
0xba: {  	s9 =	sshll.u32 s28, $0x1;
	[dreg:$0x2] =	wrdreg s7  }
0xbb: {  	[dreg:$0x3] =	wrdreg s9  }
0xbc: {  	[dreg:$0x4] =	wrdreg $0xC0  }
0xbd: {  	_ =	task [dreg:s22], $0x5FFFF  }
0xbe: {  	[dreg:$0x1] =	wrdreg $0xFFFFFFFF  }
0xbf: {  	[dreg:$0x0] =	wrdreg $0x60  }
0xc0: {  	[dreg:$0x2] =	wrdreg s18  }
0xc1: {  	[dreg:$0x3] =	wrdreg s4  }
0xc2: {  	[dreg:$0x4] =	wrdreg s5  }
0xc3: {  	[dreg:$0x5] =	wrdreg s6  }
0xc4: {  	[dreg:$0x6] =	wrdreg s24  }
0xc5: {  	[dreg:$0x7] =	wrdreg $0x9  }
0xc6: {  	_ =	task.clear_ibuf [dreg:s22], $0x8FFFF;
	_ =	strace $0x90000049  }
0xc7: {  	s29 =	simm.s32 $0x9;
	_ =	strace $0x8000004B  }
0xc8: {  	_ =	swait.ge [sflag:s29], $0x1  }
0xc9: {  	[sflag:s29] =	ssyncadd.s32 $0xFFFFFFFF  }
0xca: {  	_ =	strace $0x9000004B  }
0xcb: {  	_ =	sfence  }
0xcc: {  	s30 =	sld [smem:$0x0];
	_ =	sdelay $0x2  }
0xcd: {  	s31 =	sshll.u32 s1, $0xD;
	s1 =	sshrl.u32 s1, $0x2  }
0xce: {  	s4 =	sand.u32 $0x4000, s31;
	s1 =	sadd.s32 s1, s30  }
0xcf: {  	s0 =	sor.u32 s4, s0;
	s1 =	sshll.u32 s1, $0x11  }
0xd0: {  	s0 =	sor.u32 s1, s0  }
0xd1: {  	s0 =	sadd.s32 $0x8F2B, s0  }
0xd2: {  	[sflag:s0] =	ssyncadd.remote.s32 $0x1  }
0xd3: {  	_ =	sfence.sel $0xFFFF  }
0xd4: {  	[dreg:$0x0] =	wrdreg $0xFFFFFFFF;
	(pc) =	sbr.abs _section_cstart, $3  }
0xd5: {  	[dreg:$0x1] =	wrdreg $0xFFFFFFFF  }
0xd6: {  	_ =	task.clear_ibuf [dreg:s22], $0x2FFFF;
	_ =	strace $0x9FFFFFFF  }
0xd7: {  	(tm) =	ssettm $0x7FFFFFFF  }
tec
execute0_lowered:
.L_overlay_start_1:
0x0: {  	(tag) =	ssettag $0x1  }
0x1: {  	s5 =	rddreg [dreg:$0x0]  }
0x2: {  	s6 =	rddreg [dreg:$0x1];
	s2 =	srdreg.scid  }
0x3: {  	s1 =	rddreg [dreg:$0x2];
	s0 =	stileid.u32;
	s13 =	sand.u32 $0x1, s2  }
0x4: {  	s3 =	rddreg [dreg:$0x3];
	s7 =	sshll.u32 s0, $0x8;
	s8 =	sshll.u32 s13, $0x7  }
0x5: {  	s11 =	rddreg [dreg:$0x4];
	s4 =	simm.s32 $0x0;
	s12 =	sor.u32 s8, s7  }
0x6: {  	[smem:$0x7FF] =	sst s4;
	s7 =	sshrl.u32 s12, $0x3  }
0x7: {  	s2 =	rddreg [dreg:$0x5];
	_ =	strace $0x8000004A;
	s5 =	sadd.s32 s5, s7  }
0x8: {  	[tilespmem:s4], [sflag:$0x1] =	stream.linear.gather [hbm4b:s5+s4], $0x80, $0x38;
	[tilespmem:$0x8100] =	vst v63  }
0x9: {  	s8 =	simm.s32 $0x1;
	s6 =	sadd.s32 s6, s7;
	s7 =	simm.s32 $0x80  }
0xa: {  	[tilespmem:s7], [sflag:$0x1] =	stream.linear.gather [hbm4b:s6+s4], $0x80, $0x38;
	[tilespmem:$0x8100] =	vst v63  }
0xb: {  	_ =	swait.ge [sflag:s8], $0x80  }
0xc: {  	[sflag:s8] =	ssyncset.done $0x0  }
0xd: {  	s9 =	simm.s32 $0x100;
	[sflag:s8] =	ssyncadd.s32 $0xFFFFFF80  }
0xe: {  	[tilespmem:s9], [sflag:$0x1] =	stream.indirect.gather [hbm4b:s1+s7], $0x80, s4, s7, $0xb8;
	[tilespmem:$0x8100] =	vst v63  }
0xf: {  	_ =	swait.ge [sflag:s8], $0x80  }
0x10: {  	[sflag:s8] =	ssyncset.done $0x0  }
0x11: {  	s10 =	simm.s32 $0x4100;
	[sflag:s8] =	ssyncadd.s32 $0xFFFFFF80  }
0x12: {  	[tilespmem:s10], [sflag:$0x1] =	stream.indirect.gather [hbm4b:s3+s7], $0x80, s7, s7, $0xb8;
	[tilespmem:$0x8100] =	vst v63  }
0x13: {  	s12 =	sshll.u32 s12, $0x4;
	_ =	swait.ge [sflag:s8], $0x4000  }
0x14: {  	s13 =	ssub.s32 $0x2, s13;
	s14 =	sadd.s32 s12, s11;
	[sflag:s8] =	ssyncset.done $0x0  }
0x15: {  	s11 =	simm.s32 $0x2;
	s12 =	sadd.s32 $0x15200, s14;
	[sflag:s8] =	ssyncadd.s32 $0xFFFFC000  }
0x16: {  	[hbm4b:s12+s4] =	stream.linear.scatter [tilespmem:s9], [sflag:$0x2], $0x4000, $0x38;
	[tilespmem:$0x8100] =	vst v63  }
0x17: {  	s15 =	sshrl.u32 s13, $0x1;
	_ =	swait.ge [sflag:s11], $0x4000  }
0x18: {  	s15 =	ssub.s32 s13, s15;
	[sflag:s11] =	ssyncset.done $0x0  }
0x19: {  	s31 =	smax.u32 s15, $0x1;
	[sflag:s11] =	ssyncadd.s32 $0xFFFFC000  }
0x1a: {  	p0 =	sne.s32 s31, $0x1;
	_ =	swait.ge [sflag:s8], $0x4000  }
.Ltmp0:
0x1b: {  	[sflag:s8] =	ssyncset.done $0x0;
	(pc) =	sbr.rel @!p0 .LBB2_2-.Ltmp0, $4  }
0x1c: {  	s13 =	sadd.s32 $0x25200, s14;
	[sflag:s8] =	ssyncadd.s32 $0xFFFFC000  }
0x1d: {  	[hbm4b:s13+s4] =	stream.linear.scatter [tilespmem:s10], [sflag:$0x2], $0x4000, $0x38;
	[tilespmem:$0x8100] =	vst v63  }
0x1e: {  	_ =	swait.ge [sflag:s11], $0x4000  }
0x1f: {  	s14 =	sadd.s32 $0xFFFFFFFF, s31;
	[sflag:s11] =	ssyncset.done $0x0  }
.LBB2_1:
0x20: {  	p0 =	sne.s32 s14, $0x1;
	s14 =	sadd.s32 $0xFFFFFFFF, s14;
	[sflag:s11] =	ssyncadd.s32 $0xFFFFC000  }
0x21: {  	[tilespmem:s4], [sflag:$0x1] =	stream.linear.gather [hbm4b:s5+s4], $0x80, $0x38;
	[tilespmem:$0x8100] =	vst v63  }
0x22: {  	_ = 	snop  }
0x23: {  	[tilespmem:s7], [sflag:$0x1] =	stream.linear.gather [hbm4b:s6+s4], $0x80, $0x38;
	[tilespmem:$0x8100] =	vst v63  }
0x24: {  	_ =	swait.ge [sflag:s8], $0x80  }
0x25: {  	[sflag:s8] =	ssyncset.done $0x0  }
0x26: {  	[sflag:s8] =	ssyncadd.s32 $0xFFFFFF80  }
0x27: {  	[tilespmem:s9], [sflag:$0x1] =	stream.indirect.gather [hbm4b:s1+s7], $0x80, s4, s7, $0xb8;
	[tilespmem:$0x8100] =	vst v63  }
0x28: {  	_ =	swait.ge [sflag:s8], $0x80  }
0x29: {  	[sflag:s8] =	ssyncset.done $0x0  }
0x2a: {  	[sflag:s8] =	ssyncadd.s32 $0xFFFFFF80  }
0x2b: {  	[tilespmem:s10], [sflag:$0x1] =	stream.indirect.gather [hbm4b:s3+s7], $0x80, s7, s7, $0xb8;
	[tilespmem:$0x8100] =	vst v63  }
0x2c: {  	_ =	swait.ge [sflag:s8], $0x4000  }
0x2d: {  	[sflag:s8] =	ssyncset.done $0x0  }
0x2e: {  	[sflag:s8] =	ssyncadd.s32 $0xFFFFC000  }
0x2f: {  	[hbm4b:s12+s4] =	stream.linear.scatter [tilespmem:s9], [sflag:$0x2], $0x4000, $0x38;
	[tilespmem:$0x8100] =	vst v63  }
0x30: {  	_ =	swait.ge [sflag:s11], $0x4000  }
0x31: {  	[sflag:s11] =	ssyncset.done $0x0  }
0x32: {  	[sflag:s11] =	ssyncadd.s32 $0xFFFFC000  }
0x33: {  	_ =	swait.ge [sflag:s8], $0x4000  }
.Ltmp1:
0x34: {  	[sflag:s8] =	ssyncset.done $0x0;
	(pc) =	sbr.rel @p0 .LBB2_1-.Ltmp1, $4  }
0x35: {  	[sflag:s8] =	ssyncadd.s32 $0xFFFFC000  }
0x36: {  	[hbm4b:s13+s4] =	stream.linear.scatter [tilespmem:s10], [sflag:$0x2], $0x4000, $0x38;
	[tilespmem:$0x8100] =	vst v63  }
0x37: {  	_ =	swait.ge [sflag:s11], $0x4000  }
0x38: {  	[sflag:s11] =	ssyncset.done $0x0  }
.LBB2_2:
0x39: {  	[sflag:s11] =	ssyncadd.s32 $0xFFFFC000  }
0x3a: {  	_ =	sfence.sel $0x180000  }
0x3b: {  	[bflag:$0x0] =	sbarrier.arrive $0xFFFF  }
0x3c: {  	p0 =	sne.s32 s0, $0x0;
	_ =	strace $0x9000004A  }
0x3d: {  	s0 =	sadd.s32 @!p0 $0x100000, s2;
	[bflag:$0x2] =	sbarrier.arrive $0xFFFF  }
0x3e: {  	[sflag:s0] =	ssyncadd.tile.s32 @!p0 $0x1;
	_ =	shalt  }
.Lfunc_end2:
_tile_overlayer_lowered:
.L_overlay_start_2:
0x3f: {  	(tag) =	ssettag $0x2  }
0x40: {  	s0 =	rddreg [dreg:$0x0];
	s2 =	stileid.u32  }
0x41: {  	s1 =	rddreg [dreg:$0x1];
	p0 =	sne.s32 s2, $0x0  }
0x42: {  	s3 =	rddreg [dreg:$0x2];
	[bflag:$0x3] =	sbarrier.arrive $0xFFFF;
	s2 =	simm.s32 @!p0 $0x1C02  }
0x43: {  	[timem:s3], [sflag:s2] =	dma.local @!p0 [hbm:s0], s1  }
0x44: {  	s0 =	simm.s32 @!p0 $0x2  }
0x45: {  	_ =	swait.ge @!p0 [sflag:s0], s1  }
0x46: {  	s1 =	ssub.s32 @!p0 $0x0, s1;
	[sflag:s0] =	ssyncset.done @!p0 $0x0  }
0x47: {  	[sflag:s0] =	ssyncadd.s32 @!p0 s1  }
0x48: {  	[bflag:$0x3] =	sbarrier.arrive $0xFFFF  }
0x49: {  	_ =	shalt  }

// kernel: kernel.8.cloned.1.call-start
scs
__scs_entry_jumppad:
0x0: {  	(pc) =	sbr.rel $0x88, $3  }
0x1: {  	(tag) =	ssettag $0x0;
	lr =	simm.s32 $0x1  }
0x2: {  	[smem:$0x3F92] =	sst lr;
	_ =	strace $0xD0000000  }
0x3: {  	_ = 	snop  }
0x4: {  	_ = 	snop  }
0x5: {  	_ = 	snop  }
0x6: {  	_ = 	snop  }
0x7: {  	_ = 	snop  }
__scs_overlays_trampoline_lowered:
0x8: {  	[smem:$0x3FA1] =	sst s0  }
0x9: {  	[smem:$0x3FA2] =	sst s1  }
0xa: {  	[smem:$0x3FA3] =	sst s2  }
0xb: {  	[smem:$0x3FA4] =	sst s3  }
0xc: {  	[smem:$0x3FA5] =	sst s4  }
0xd: {  	[smem:$0x3FA6] =	sst s5  }
0xe: {  	[smem:$0x3FA7] =	sst s6  }
0xf: {  	[smem:$0x3FA8] =	sst s7  }
0x10: {  	[smem:$0x3FA9] =	sst s8  }
0x11: {  	[smem:$0x3FAA] =	sst s9;
	s0 =	simm.s32 @!p0 $0x0  }
0x12: {  	s1 =	sld [smem:$0x3F90];
	s0 =	simm.s32 @p0 $0x1  }
0x13: {  	[smem:$0x3FAB] =	sst s0;
	s0 =	simm.s32 @!p1 $0x0  }
0x14: {  	s2 =	sld [smem:$0x3F8F];
	s0 =	simm.s32 @p1 $0x1  }
0x15: {  	[smem:$0x3FAC] =	sst s0;
	s0 =	simm.s32 @!p2 $0x0  }
0x16: {  	s3 =	sld [smem:$0x3FDB];
	s0 =	simm.s32 @p2 $0x1  }
0x17: {  	s4 =	simm.s32 $0x1BF5;
	[smem:$0x3FAE] =	sst s0  }
0x18: {  	s0 =	sld [smem:$0x3F91];
	_ =	swait.ge [sflag:s4], $0x0  }
0x19: {  	s7 =	sld [smem:$0x3F92]  }
0x1a: {  	s8 =	sadd.s32 $0xFFFFE003, lr  }
0x1b: {  	s9 =	sadd.s32 $0xFFFFFEF7, lr;
	s5 =	simm.s32 $0xFFFFFFFF;
	p2 =	slt.u32 s8, $0xFFFFF086  }
0x1c: {  	p1 =	slt.u32 s9, $0xF7A;
	s5 =	simm.s32 @!p2 $0x0  }
0x1d: {  	s5 =	simm.s32 @p1 $0x1;
	p0 =	seq.s32 s7, s2  }
0x1e: {  	s7 =	smul.u32 @!p0 $0xF7A, s2;
	p2 =	seq.s32 @!p0 s5, $0x0  }
0x1f: {  	s9 =	smul.u32 $0xF7A, s1;
	s8 =	simm.s32 @!p0 $0x1BF5;
	p2 =	por !p2, p0  }
0x20: {  	[sflag:s8] =	ssyncset.s32 @!p0 $0xFFFFF086;
	s6 =	sadd.s32 @!p0 s3, s7;
	s7 =	simm.s32 @!p0 $0x108  }
0x21: {  	s3 =	sadd.s32 s3, s9;
	s6 =	sadd.s32 @!p0 $0x88, s6;
	s7 =	simm.s32 @p2 $0x1082  }
0x22: {  	[simem:s7], [sflag:s8] =	dma.local @!p0 [hbm:s6], $0xF7A  }
0x23: {  	s9 =	sor.u32 $0xD0000000, s2;
	s6 =	simm.s32 $0x108;
	_ =	swait.ge @!p0 [sflag:s8], $0x0  }
0x24: {  	s3 =	sadd.s32 $0x88, s3;
	s6 =	simm.s32 @!p1 $0x1082;
	[sflag:s4] =	ssyncset.s32 $0xFFFFF086  }
0x25: {  	[simem:s6], [sflag:s4] =	dma.local [hbm:s3], $0xF7A  }
0x26: {  	[smem:$0x3F92] =	sst s1;
	(tag) =	ssettag s2;
	_ =	strace s9  }
0x27: {  	s1 =	sld [smem:$0x3FA2]  }
0x28: {  	s2 =	sld [smem:$0x3FA3]  }
0x29: {  	s4 =	sld [smem:$0x3FA5]  }
0x2a: {  	p0 =	seq.s32 s5, $0x0;
	s5 =	sld [smem:$0x3FA6]  }
0x2b: {  	s6 =	sld [smem:$0x3FA7]  }
0x2c: {  	s7 =	sld [smem:$0x3FA8]  }
0x2d: {  	s3 =	simm.s32 $0x108;
	s8 =	sld [smem:$0x3FA9]  }
0x2e: {  	s3 =	simm.s32 @!p0 $0x1082;
	s9 =	sld [smem:$0x3FAA]  }
0x2f: {  	lr =	sadd.s32 s0, s3;
	s0 =	sld [smem:$0x3FA1]  }
0x30: {  	s3 =	sld [smem:$0x3FA4]  }
0x31: {  	[smem:$0x3FAD] =	sst s10  }
0x32: {  	s10 =	sld [smem:$0x3FAB];
	_ =	sdelay $0x3  }
0x33: {  	p0 =	seq.s32 s10, $0x1;
	s10 =	sld [smem:$0x3FAD];
	_ =	sdelay $0x3  }
0x34: {  	[smem:$0x3FAD] =	sst s10  }
0x35: {  	s10 =	sld [smem:$0x3FAC];
	_ =	sdelay $0x3  }
0x36: {  	p1 =	seq.s32 s10, $0x1;
	s10 =	sld [smem:$0x3FAD];
	_ =	sdelay $0x3  }
0x37: {  	[smem:$0x3FAD] =	sst s10  }
0x38: {  	s10 =	sld [smem:$0x3FAE]  }
0x39: {  	_ = 	snop;
	(pc) =	sbr.ind lr, $3  }
0x3a: {  	_ = 	snop  }
0x3b: {  	_ = 	snop  }
0x3c: {  	p2 =	seq.s32 s10, $0x1;
	s10 =	sld [smem:$0x3FAD]  }
0x3d: {  	_ =	shalt  }
0x3e: {  	_ =	shalt  }
0x3f: {  	_ =	shalt  }
0x40: {  	_ =	shalt  }
0x41: {  	_ =	shalt  }
0x42: {  	_ =	shalt  }
0x43: {  	_ =	shalt  }
0x44: {  	_ =	shalt  }
0x45: {  	_ =	shalt  }
0x46: {  	_ =	shalt  }
0x47: {  	_ =	shalt  }
0x48: {  	_ =	shalt  }
0x49: {  	_ =	shalt  }
0x4a: {  	_ =	shalt  }
0x4b: {  	_ =	shalt  }
0x4c: {  	_ =	shalt  }
0x4d: {  	_ =	shalt  }
0x4e: {  	_ =	shalt  }
0x4f: {  	_ =	shalt  }
0x50: {  	_ =	shalt  }
0x51: {  	_ =	shalt  }
0x52: {  	_ =	shalt  }
0x53: {  	_ =	shalt  }
0x54: {  	_ =	shalt  }
0x55: {  	_ =	shalt  }
0x56: {  	_ =	shalt  }
0x57: {  	_ =	shalt  }
0x58: {  	_ =	shalt  }
0x59: {  	_ =	shalt  }
0x5a: {  	_ =	shalt  }
0x5b: {  	_ =	shalt  }
0x5c: {  	_ =	shalt  }
0x5d: {  	_ =	shalt  }
0x5e: {  	_ =	shalt  }
0x5f: {  	_ =	shalt  }
0x60: {  	_ =	shalt  }
0x61: {  	_ =	shalt  }
0x62: {  	_ =	shalt  }
0x63: {  	_ =	shalt  }
0x64: {  	_ =	shalt  }
0x65: {  	_ =	shalt  }
0x66: {  	_ =	shalt  }
0x67: {  	_ =	shalt  }
0x68: {  	_ =	shalt  }
0x69: {  	_ =	shalt  }
0x6a: {  	_ =	shalt  }
0x6b: {  	_ =	shalt  }
0x6c: {  	_ =	shalt  }
0x6d: {  	_ =	shalt  }
0x6e: {  	_ =	shalt  }
0x6f: {  	_ =	shalt  }
0x70: {  	_ =	shalt  }
0x71: {  	_ =	shalt  }
0x72: {  	_ =	shalt  }
0x73: {  	_ =	shalt  }
0x74: {  	_ =	shalt  }
0x75: {  	_ =	shalt  }
0x76: {  	_ =	shalt  }
0x77: {  	_ =	shalt  }
0x78: {  	_ =	shalt  }
0x79: {  	_ =	shalt  }
0x7a: {  	_ =	shalt  }
0x7b: {  	_ =	shalt  }
0x7c: {  	_ =	shalt  }
0x7d: {  	_ =	shalt  }
0x7e: {  	_ =	shalt  }
0x7f: {  	_ =	shalt  }
0x80: {  	_ =	shalt  }
0x81: {  	_ =	shalt  }
0x82: {  	_ =	shalt  }
0x83: {  	_ =	shalt  }
0x84: {  	_ =	shalt  }
0x85: {  	_ =	shalt  }
0x86: {  	_ =	shalt  }
0x87: {  	_ =	shalt  }
.Lfunc_end0:
.L_simem_size_0:
called_computation.1_lowered:
.L_overlay_start_0:
0x88: {  	s2 =	sld [smem:$0x3FD9]  }
0x89: {  	s3 =	sld [smem:$0x3FFE];
	_ =	sdelay $0x1  }
0x8a: {  	s1 =	srdreg.scid  }
0x8b: {  	s0 =	sand.u32 $0x1, s1  }
0x8c: {  	s17 =	sshll.u32 s0, $0xA;
	s2 =	sadd.s32 s3, s2  }
0x8d: {  	s2 =	sadd.s32 s2, s17  }
0x8e: {  	[smem:$0x3FB9] =	sst s2  }
0x8f: {  	_ = 	snop  }
0x90: {  	s2 =	sld [smem:$0x3FC8];
	(tm) =	ssettm $0x1  }
0x91: {  	s18 =	sld [smem:$0x3FFB];
	_ =	sdelay $0x3  }
0x92: {  	_ =	strace s18  }
0x93: {  	s3 =	sld [smem:$0x3FFC];
	_ =	sdelay $0x3  }
0x94: {  	_ =	strace s3  }
0x95: {  	s3 =	sld [smem:$0x3FFD];
	_ =	sdelay $0x3  }
0x96: {  	_ =	strace s3  }
0x97: {  	_ =	strace $0x8FFFFFFF  }
0x98: {  	s19 =	sld [smem:$0x3FDB];
	_ =	sdelay $0x1  }
0x99: {  	s4 =	simm.s32 $_scs_section_size  }
0x9a: {  	s5 =	simm.s32 $_size__tile_overlayer_lowered;
	s6 =	simm.s32 $_tile_overlayer_lowered  }
0x9b: {  	s22 =	simm.s32 $0x1BFF;
	s21 =	sshll.u32 s6, $0x1;
	s3 =	sadd.s32 s4, s19  }
0x9c: {  	s7 =	simm.s32 $0x0;
	s20 =	sshll.u32 s5, $0x1;
	s5 =	sadd.s32 s21, s3  }
0x9d: {  	[timem:s7], [sflag:s22] =	dma.local [hbm:s5], s20  }
0x9e: {  	_ =	swait.ge [sflag:s22], s20  }
0x9f: {  	s4 =	ssub.s32 $0x0, s20;
	[sflag:s22] =	ssyncset.done $0x0  }
0xa0: {  	[sflag:s22] =	ssyncadd.s32 s4;
	_ =	sdelay $0x1  }
0xa1: {  	s23 =	simm.s32 $0x1B8B  }
0xa2: {  	_ =	swait.ge [sflag:s23], $0x1  }
0xa3: {  	[sflag:s23] =	ssyncset.done $0x0  }
0xa4: {  	s25 =	simm.s32 $0x1B8E;
	s24 =	sld [smem:$0x3FFE];
	[sflag:s23] =	ssyncadd.s32 $0xFFFFFFFF  }
0xa5: {  	s26 =	simm.s32 $execute0_lowered;
	[smem:$0x3FD2] =	sst s25  }
0xa6: {  	s5 =	sshll.u32 s26, $0x1;
	_ =	strace $0x80000046;
	[dreg:$0x1] =	wrdreg $0xFFFFFFFF  }
0xa7: {  	s28 =	simm.s32 $_size_execute0_lowered;
	s3 =	sadd.s32 s3, s5;
	[dreg:$0x0] =	wrdreg $0x0  }
0xa8: {  	s5 =	sshll.u32 s28, $0x1;
	[dreg:$0x2] =	wrdreg s3  }
0xa9: {  	[dreg:$0x3] =	wrdreg s5  }
0xaa: {  	[dreg:$0x4] =	wrdreg $0xC0  }
0xab: {  	_ =	task [dreg:s7], $0x5FFFF  }
0xac: {  	[dreg:$0x1] =	wrdreg $0xFFFFFFFF  }
0xad: {  	[dreg:$0x0] =	wrdreg $0x60  }
0xae: {  	[dreg:$0x2] =	wrdreg s2  }
0xaf: {  	[dreg:$0x3] =	wrdreg s24  }
0xb0: {  	[dreg:$0x4] =	wrdreg $0xA  }
0xb1: {  	_ =	task.clear_ibuf [dreg:s7], $0x5FFFF;
	_ =	strace $0x90000046  }
0xb2: {  	s29 =	simm.s32 $0xA;
	_ =	strace $0x80000048  }
0xb3: {  	_ =	swait.ge [sflag:s29], $0x1  }
0xb4: {  	[sflag:s29] =	ssyncadd.s32 $0xFFFFFFFF  }
0xb5: {  	_ =	strace $0x90000048  }
0xb6: {  	_ =	sfence  }
0xb7: {  	s30 =	sld [smem:$0x0];
	_ =	sdelay $0x2  }
0xb8: {  	s31 =	sshll.u32 s1, $0xD;
	s1 =	sshrl.u32 s1, $0x2  }
0xb9: {  	s3 =	sand.u32 $0x4000, s31;
	s1 =	sadd.s32 s1, s30  }
0xba: {  	s0 =	sor.u32 s3, s0;
	s1 =	sshll.u32 s1, $0x11  }
0xbb: {  	s0 =	sor.u32 s1, s0  }
0xbc: {  	s0 =	sadd.s32 $0x8F2B, s0  }
0xbd: {  	[sflag:s0] =	ssyncadd.remote.s32 $0x1  }
0xbe: {  	_ =	sfence.sel $0xFFFF  }
0xbf: {  	[dreg:$0x0] =	wrdreg $0xFFFFFFFF;
	(pc) =	sbr.abs _section_cstart, $3  }
0xc0: {  	[dreg:$0x1] =	wrdreg $0xFFFFFFFF  }
0xc1: {  	_ =	task.clear_ibuf [dreg:s7], $0x2FFFF;
	_ =	strace $0x9FFFFFFF  }
0xc2: {  	(tm) =	ssettm $0x7FFFFFFF  }
0xc3: {  	_ =	shalt  }
tec
execute0_lowered:
.L_overlay_start_1:
0x0: {  	(tag) =	ssettag $0x1  }
0x1: {  	s1 =	srdreg.scid  }
0x2: {  	s3 =	rddreg [dreg:$0x0];
	s0 =	stileid.u32;
	s5 =	sand.u32 $0x1, s1  }
0x3: {  	s6 =	rddreg [dreg:$0x1];
	s4 =	sshll.u32 s0, $0x8;
	s7 =	sshll.u32 s5, $0x7  }
0x4: {  	s2 =	simm.s32 $0x0;
	s1 =	rddreg [dreg:$0x2];
	s7 =	sor.u32 s7, s4  }
0x5: {  	[smem:$0x7FF] =	sst s2;
	s4 =	sshrl.u32 s7, $0x3  }
0x6: {  	_ =	strace $0x80000047;
	s4 =	sadd.s32 s3, s4;
	s3 =	simm.s32 $0x2  }
0x7: {  	[tilespmem:s2], [sflag:$0x2] =	stream.linear.gather [hbm4b:s4+s2], $0x80, $0x38;
	[tilespmem:$0x4100] =	vst v63  }
0x8: {  	_ =	swait.ge [sflag:s3], $0x80  }
0x9: {  	[sflag:s3] =	ssyncset.done $0x0  }
0xa: {  	[sflag:s3] =	ssyncadd.s32 $0xFFFFFF80  }
0xb: {  	v0 =	vld [tilespmem:$0x70]  }
0xc: {  	v1 =	vld [tilespmem:$0x30]  }
0xd: {  	v2 =	vld [tilespmem:$0x50]  }
0xe: {  	v3 =	vld [tilespmem:$0x40]  }
0xf: {  	s5 =	ssub.s32 $0x2, s5;
	v4 =	vld [tilespmem:$0x60]  }
0x10: {  	s8 =	sshrl.u32 s5, $0x1;
	v5 =	vld [tilespmem:$0x20];
	v0 =	vshrl.u32 v0, $0x7  }
0x11: {  	s8 =	ssub.s32 s5, s8;
	v6 =	vld [tilespmem:$0x10];
	v1 =	vshrl.u32 v1, $0x7;
	[tilespmem:$0xF0] =	vst v0  }
0x12: {  	s10 =	smax.u32 s8, $0x1;
	v58 =	vld [tilespmem:$0x0];
	v59 =	vshrl.u32 v2, $0x7;
	[tilespmem:$0xB0] =	vst v1  }
0x13: {  	p0 =	sne.s32 s10, $0x1;
	v60 =	vshrl.u32 v3, $0x7;
	[tilespmem:$0xD0] =	vst v59  }
.Ltmp0:
0x14: {  	v61 =	vshrl.u32 v4, $0x7;
	[tilespmem:$0xC0] =	vst v60;
	(pc) =	sbr.rel @!p0 .LBB2_2-.Ltmp0, $4  }
0x15: {  	v62 =	vshrl.u32 v5, $0x7;
	[tilespmem:$0xE0] =	vst v61  }
0x16: {  	s9 =	simm.s32 $0x1;
	s7 =	sshll.u32 s7, $0x4;
	v63 =	vshrl.u32 v6, $0x7;
	[tilespmem:$0xA0] =	vst v62  }
0x17: {  	s5 =	sadd.s32 $0x2000, s6;
	s6 =	sadd.s32 s7, s6;
	s7 =	simm.s32 $0x80;
	v0 =	vshrl.u32 v58, $0x7;
	[tilespmem:$0x90] =	vst v63  }
0x18: {  	s8 =	simm.s32 $0x100;
	s6 =	sadd.s32 $0x5200, s6;
	s10 =	sadd.s32 $0xFFFFFFFF, s10;
	[tilespmem:$0x80] =	vst v0  }
.LBB2_1:
0x19: {  	[tilespmem:s8], [sflag:$0x1] =	stream.indirect.gather [hbm4b:s5+s7], $0x80, s7, s7, $0xb8;
	[tilespmem:$0x4100] =	vst v63  }
0x1a: {  	p0 =	sne.s32 s10, $0x1;
	s10 =	sadd.s32 $0xFFFFFFFF, s10;
	_ =	swait.ge [sflag:s9], $0x4000  }
0x1b: {  	[sflag:s9] =	ssyncset.done $0x0  }
0x1c: {  	[sflag:s9] =	ssyncadd.s32 $0xFFFFC000  }
0x1d: {  	[hbm4b:s6+s2] =	stream.linear.scatter [tilespmem:s8], [sflag:$0x2], $0x4000, $0x38;
	[tilespmem:$0x4100] =	vst v63  }
0x1e: {  	_ =	swait.ge [sflag:s3], $0x4000  }
0x1f: {  	[sflag:s3] =	ssyncset.done $0x0  }
0x20: {  	[sflag:s3] =	ssyncadd.s32 $0xFFFFC000  }
0x21: {  	[tilespmem:s2], [sflag:$0x2] =	stream.linear.gather [hbm4b:s4+s2], $0x80, $0x38;
	[tilespmem:$0x4100] =	vst v63  }
0x22: {  	_ =	swait.ge [sflag:s3], $0x80  }
0x23: {  	[sflag:s3] =	ssyncset.done $0x0  }
0x24: {  	[sflag:s3] =	ssyncadd.s32 $0xFFFFFF80  }
0x25: {  	v0 =	vld [tilespmem:$0x70]  }
0x26: {  	v1 =	vld [tilespmem:$0x30]  }
0x27: {  	v2 =	vld [tilespmem:$0x50]  }
0x28: {  	v3 =	vld [tilespmem:$0x40]  }
0x29: {  	v4 =	vld [tilespmem:$0x60]  }
0x2a: {  	v5 =	vld [tilespmem:$0x20];
	v0 =	vshrl.u32 v0, $0x7  }
0x2b: {  	v6 =	vld [tilespmem:$0x10];
	v1 =	vshrl.u32 v1, $0x7;
	[tilespmem:$0xF0] =	vst v0  }
0x2c: {  	v0 =	vld [tilespmem:$0x0];
	[tilespmem:$0xB0] =	vst v1;
	v1 =	vshrl.u32 v2, $0x7  }
0x2d: {  	v2 =	vshrl.u32 v3, $0x7;
	[tilespmem:$0xD0] =	vst v1  }
.Ltmp1:
0x2e: {  	[tilespmem:$0xC0] =	vst v2;
	v1 =	vshrl.u32 v4, $0x7;
	(pc) =	sbr.rel @p0 .LBB2_1-.Ltmp1, $4  }
0x2f: {  	v2 =	vshrl.u32 v5, $0x7;
	[tilespmem:$0xE0] =	vst v1  }
0x30: {  	v1 =	vshrl.u32 v6, $0x7;
	[tilespmem:$0xA0] =	vst v2  }
0x31: {  	v0 =	vshrl.u32 v0, $0x7;
	[tilespmem:$0x90] =	vst v1  }
0x32: {  	[tilespmem:$0x80] =	vst v0  }
.LBB2_2:
0x33: {  	[tilespmem:s8], [sflag:$0x1] =	stream.indirect.gather [hbm4b:s5+s7], $0x80, s7, s7, $0xb8;
	[tilespmem:$0x4100] =	vst v63  }
0x34: {  	_ =	swait.ge [sflag:s9], $0x4000  }
0x35: {  	[sflag:s9] =	ssyncset.done $0x0  }
0x36: {  	[sflag:s9] =	ssyncadd.s32 $0xFFFFC000  }
0x37: {  	[hbm4b:s6+s2] =	stream.linear.scatter [tilespmem:s8], [sflag:$0x2], $0x4000, $0x38;
	[tilespmem:$0x4100] =	vst v63  }
0x38: {  	_ =	swait.ge [sflag:s3], $0x4000  }
0x39: {  	[sflag:s3] =	ssyncset.done $0x0  }
0x3a: {  	[sflag:s3] =	ssyncadd.s32 $0xFFFFC000  }
0x3b: {  	_ =	sfence.sel $0x180000  }
0x3c: {  	[bflag:$0x0] =	sbarrier.arrive $0xFFFF  }
0x3d: {  	p0 =	sne.s32 s0, $0x0;
	_ =	strace $0x90000047  }
0x3e: {  	s0 =	sadd.s32 @!p0 $0x100000, s1;
	[bflag:$0x2] =	sbarrier.arrive $0xFFFF  }
0x3f: {  	[sflag:s0] =	ssyncadd.tile.s32 @!p0 $0x1;
	_ =	shalt  }
.Lfunc_end2:
_tile_overlayer_lowered:
.L_overlay_start_2:
0x40: {  	(tag) =	ssettag $0x2  }
0x41: {  	s0 =	rddreg [dreg:$0x0];
	s2 =	stileid.u32  }
0x42: {  	s1 =	rddreg [dreg:$0x1];
	p0 =	sne.s32 s2, $0x0  }
0x43: {  	s3 =	rddreg [dreg:$0x2];
	[bflag:$0x3] =	sbarrier.arrive $0xFFFF;
	s2 =	simm.s32 @!p0 $0x1C02  }
0x44: {  	[timem:s3], [sflag:s2] =	dma.local @!p0 [hbm:s0], s1  }
0x45: {  	s0 =	simm.s32 @!p0 $0x2  }
0x46: {  	_ =	swait.ge @!p0 [sflag:s0], s1  }
0x47: {  	s1 =	ssub.s32 @!p0 $0x0, s1;
	[sflag:s0] =	ssyncset.done @!p0 $0x0  }
0x48: {  	[sflag:s0] =	ssyncadd.s32 @!p0 s1  }
0x49: {  	[bflag:$0x3] =	sbarrier.arrive $0xFFFF  }
0x4a: {  	_ =	shalt  }

</sc_bundles>
